<compile_context>
chip_gen: v7x
topology: tpu7x:2x2x1
jax: 0.10.2.dev20260603
libtpu: 0.0.44.dev20260713+nightly
codegen_flags: <defaults>
</compile_context>

<pallas_src>
import dataclasses

import jax
import jax.numpy as jnp
from jax import lax
from jax.experimental import pallas as pl
from jax.experimental.pallas import tpu as pltpu
from jax.experimental.pallas import tpu_sc as plsc

N_E = 8192
E_DIM = 32
N_TOKENS = 8192
BETA = 0.25

BM = 256
BN = 8192
_DN = (((1,), (1,)), ((), ()))

_NC = 2
_NS = 16
_NW = _NC * _NS
_BPW = N_TOKENS // _NW
_GCHUNK = 128


_BIG = 2**30


def _dist_kernel(zz_ref, ee_ref, z_ref, e_ref, d_ref, idx_ref, mref, gref):
    j = pl.program_id(1)
    ncb = pl.num_programs(1)
    ngrp = BN // 128

    mm2 = lax.dot_general(z_ref[...], -2.0 * e_ref[...], _DN,
                          preferred_element_type=jnp.float32)
    dblk = (zz_ref[...] + ee_ref[...]) + mm2
    d_ref[...] = dblk

    cols = [dblk[:, g * 128:(g + 1) * 128] for g in range(ngrp)]
    lane_min = cols[0]
    lane_grp = jnp.full((BM, 128), j * ngrp, jnp.int32)
    for g in range(1, ngrp):
        better = cols[g] < lane_min
        lane_min = jnp.minimum(lane_min, cols[g])
        lane_grp = jnp.where(better, j * ngrp + g, lane_grp)

    @pl.when(j == 0)
    def _():
        mref[...] = lane_min
        gref[...] = lane_grp

    @pl.when(j != 0)
    def _():
        better = lane_min < mref[...]
        gref[...] = jnp.where(better, lane_grp, gref[...])
        mref[...] = jnp.where(better, lane_min, mref[...])

    @pl.when(j == ncb - 1)
    def _():
        lm = mref[...]
        m = jnp.min(lm, axis=1, keepdims=True)
        lane = jax.lax.broadcasted_iota(jnp.int32, (BM, 128), 1)
        cand = jnp.where(lm == m, gref[...] * 128 + lane, _BIG)
        idx_ref[...] = jnp.min(cand, axis=1, keepdims=True)


def _sc_gather_hist(e_hbm, idx3_hbm, zeros_hbm, zq_hbm, part_hbm,
                    idx3_v, rows_v, hist_v, sem):
    wid = lax.axis_index("s") * _NC + lax.axis_index("c")
    base = wid * _BPW

    pltpu.sync_copy(idx3_hbm.at[wid], idx3_v)
    pltpu.sync_copy(zeros_hbm, hist_v)

    copies = [pltpu.async_copy(e_hbm.at[idx3_v.at[j]], rows_v.at[j], sem)
              for j in range(_BPW // _GCHUNK)]
    for j, c in enumerate(copies):
        c.wait()
        pltpu.sync_copy(rows_v.at[j],
                        zq_hbm.at[pl.ds(base + j * _GCHUNK, _GCHUNK)])

    ones = jnp.ones((16,), jnp.float32)
    for j in range(_BPW // _GCHUNK):
        for k in range(_GCHUNK // 16):
            ivec = idx3_v[j, pl.ds(k * 16, 16)]
            plsc.addupdate_scatter(hist_v, [ivec], ones)

    pltpu.sync_copy(hist_v, part_hbm.at[wid])


def _epilogue_kernel(z_ref, zq_ref, part_ref, warm_ref, st_ref, loss_ref,
                     perp_ref):
    z = z_ref[...]
    zq = zq_ref[...]
    st_ref[...] = z + (zq - z)
    diff = zq - z
    m = jnp.sum(diff * diff) * (1.0 / (N_TOKENS * E_DIM))
    loss_ref[...] = jnp.reshape(BETA * m + m + 0.0 * warm_ref[0, 0], (1, 1))

    counts = jnp.sum(part_ref[...], axis=0)
    e_mean = counts * (1.0 / N_TOKENS)
    ent = e_mean * jnp.log(e_mean + 1e-10)
    perp_ref[...] = jnp.reshape(jnp.exp(-jnp.sum(ent)), (1, 1))


def _sc_warmup(src_hbm, dst_hbm, buf_v):
    wid = lax.axis_index("s") * _NC + lax.axis_index("c")

    @pl.when(wid == 0)
    def _():
        pltpu.sync_copy(src_hbm, buf_v)
        pltpu.sync_copy(buf_v, dst_hbm)


def kernel(z, embedding_weight):
    zz = jnp.sum(z ** 2, axis=1, keepdims=True)
    ee = jnp.sum(embedding_weight ** 2, axis=1).reshape(1, N_E)

    d, idx = pl.pallas_call(
        _dist_kernel,
        grid=(N_TOKENS // BM, N_E // BN),
        in_specs=[
            pl.BlockSpec((BM, 1), lambda i, j: (i, 0)),
            pl.BlockSpec((1, BN), lambda i, j: (0, j)),
            pl.BlockSpec((BM, E_DIM), lambda i, j: (i, 0)),
            pl.BlockSpec((BN, E_DIM), lambda i, j: (j, 0)),
        ],
        out_specs=[
            pl.BlockSpec((BM, BN), lambda i, j: (i, j)),
            pl.BlockSpec((BM, 1), lambda i, j: (i, 0)),
        ],
        out_shape=[
            jax.ShapeDtypeStruct((N_TOKENS, N_E), jnp.float32),
            jax.ShapeDtypeStruct((N_TOKENS, 1), jnp.int32),
        ],
        scratch_shapes=[
            pltpu.VMEM((BM, 128), jnp.float32),
            pltpu.VMEM((BM, 128), jnp.int32),
        ],
    )(zz, ee, z, embedding_weight)

    idx3 = idx.reshape(_NW, _BPW // _GCHUNK, _GCHUNK)
    zeros = jnp.zeros((N_E,), jnp.float32)

    sc_mesh = plsc.VectorSubcoreMesh(core_axis_name="c", subcore_axis_name="s")
    sc_params = pltpu.CompilerParams()
    if "needs_layout_passes" in pltpu.CompilerParams.__dataclass_fields__:
        sc_params = dataclasses.replace(sc_params, needs_layout_passes=False)
    if "use_tc_tiling_on_sc" in pltpu.CompilerParams.__dataclass_fields__:
        sc_params = dataclasses.replace(sc_params, use_tc_tiling_on_sc=False)

    warm = pl.kernel(
        _sc_warmup,
        mesh=sc_mesh,
        out_type=jax.ShapeDtypeStruct((16,), jnp.float32),
        scratch_types=[pltpu.VMEM((16,), jnp.float32)],
        compiler_params=sc_params,
    )(jnp.zeros((16,), jnp.float32))

    zq, partials = pl.kernel(
        _sc_gather_hist,
        mesh=sc_mesh,
        out_type=[
            jax.ShapeDtypeStruct((N_TOKENS, E_DIM), jnp.float32),
            jax.ShapeDtypeStruct((_NW, N_E), jnp.float32),
        ],
        scratch_types=[
            pltpu.VMEM((_BPW // _GCHUNK, _GCHUNK), jnp.int32),
            pltpu.VMEM((_BPW // _GCHUNK, _GCHUNK, E_DIM), jnp.float32),
            pltpu.VMEM((N_E,), jnp.float32),
            pltpu.SemaphoreType.DMA,
        ],
        compiler_params=sc_params,
    )(embedding_weight, idx3, zeros)

    z_q_st, loss, perp = pl.pallas_call(
        _epilogue_kernel,
        grid=(1,),
        in_specs=[
            pl.BlockSpec((N_TOKENS, E_DIM), lambda i: (0, 0)),
            pl.BlockSpec((N_TOKENS, E_DIM), lambda i: (0, 0)),
            pl.BlockSpec((_NW, N_E), lambda i: (0, 0)),
            pl.BlockSpec((1, 16), lambda i: (0, 0)),
        ],
        out_specs=[
            pl.BlockSpec((N_TOKENS, E_DIM), lambda i: (0, 0)),
            pl.BlockSpec((1, 1), lambda i: (0, 0)),
            pl.BlockSpec((1, 1), lambda i: (0, 0)),
        ],
        out_shape=[
            jax.ShapeDtypeStruct((N_TOKENS, E_DIM), jnp.float32),
            jax.ShapeDtypeStruct((1, 1), jnp.float32),
            jax.ShapeDtypeStruct((1, 1), jnp.float32),
        ],
    )(z, zq, partials, warm.reshape(1, 16))

    return (loss.reshape(()), z_q_st, perp.reshape(()), d, embedding_weight)

# --- scband reference (transcript-rebuilt; emitter-appended) ---
"""Pipeline reference for scband-vector-quantizer-78469052498032 (READ-ONLY COPY).

The authoritative reference and input builder live on the scoring server;
editing this copy changes nothing except your own understanding.
"""

import jax, jax.numpy as jnp
import numpy as np

N_E = 8192
E_DIM = 32
BETA = 0.25
N_TOKENS = 8192


def setup_inputs(seed: int = 0) -> dict:
    key = jax.random.key(seed)
    k1, k2 = jax.random.split(key)
    z = jax.random.normal(k1, (N_TOKENS, E_DIM), dtype=jnp.float32)
    embedding_weight = jax.random.uniform(
        k2, (N_E, E_DIM), dtype=jnp.float32,
        minval=-1.0 / N_E, maxval=1.0 / N_E)
    return {"z": z, "embedding_weight": embedding_weight}


def reference(z, embedding_weight):
    # distances: ||z||^2 + ||e||^2 - 2 z e^T
    d = (jnp.sum(z ** 2, axis=1, keepdims=True)
         + jnp.sum(embedding_weight ** 2, axis=1)
         - 2.0 * jnp.matmul(z, embedding_weight.T))
    min_encoding_indices = jnp.argmin(d, axis=1)
    # one-hot scatter (torch scatter_ of ones into zeros)
    min_encodings = jax.nn.one_hot(min_encoding_indices, N_E, dtype=z.dtype)
    z_q = jnp.matmul(min_encodings, embedding_weight).reshape(z.shape)
    loss = (BETA * jnp.mean((jax.lax.stop_gradient(z_q) - z) ** 2)
            + jnp.mean((z_q - jax.lax.stop_gradient(z)) ** 2))
    # straight-through estimator
    z_q_st = z + jax.lax.stop_gradient(z_q - z)
    e_mean = jnp.mean(min_encodings, axis=0)
    perplexity = jnp.exp(-jnp.sum(e_mean * jnp.log(e_mean + 1e-10)))
    return (loss, z_q_st, perplexity, d, embedding_weight)

if __name__ == "__main__":
    import jax
    _d = setup_inputs()
    print(jax.jit(kernel)(*tuple(_d.values())))

</pallas_src>

<mosaic_0001>
#map = affine_map<(d0, d1) -> (0, 0)>
#map1 = affine_map<(d0, d1) -> (0, 0, 0)>
#map2 = affine_map<(d0, d1) -> (0)>
module attributes {stable_mosaic.version = 14 : i64} {
  func.func @_sc_gather_hist(%arg0: i32, %arg1: i32, %arg2: memref<8192x32xf32, #tpu.memory_space<hbm>>, %arg3: memref<32x2x128xi32, #tpu.memory_space<hbm>>, %arg4: memref<8192xf32, #tpu.memory_space<hbm>>, %arg5: memref<8192x32xf32, #tpu.memory_space<hbm>>, %arg6: memref<32x8192xf32, #tpu.memory_space<hbm>>, %arg7: memref<2x128xi32, #tpu.memory_space<vmem>>, %arg8: memref<2x128x32xf32, #tpu.memory_space<vmem>>, %arg9: memref<8192xf32, #tpu.memory_space<vmem>>, %arg10: memref<!tpu.dma_semaphore, #tpu.memory_space<semaphore_mem>>) attributes {dimension_semantics = [#tpu.dimension_semantics<core_parallel>, #tpu.dimension_semantics<subcore_parallel>], iteration_bounds = array<i64: 2, 16>, scalar_prefetch = 0 : i64, scratch_operands = 4 : i64, tpu.core_type = #tpu.core_type<sc_vector_subcore>, window_params = [{transform_indices = #map}, {transform_indices = #map1}, {transform_indices = #map2}, {transform_indices = #map}, {transform_indices = #map}]} {
    %mul3A = arith.constant 2 : i32
    %mul3A_0 = arith.muli %arg1, %mul3A : i32
    %add3A = arith.addi %mul3A_0, %arg0 : i32
    %mul3A_1 = arith.constant 256 : i32
    %mul3A_2 = arith.muli %add3A, %mul3A_1 : i32
    "tpu.region"() ({
      %run_scoped3A_118 = tpu.sem_alloc : memref<!tpu.dma_semaphore, #tpu.memory_space<semaphore_mem>>
      %dma_start3A_119 = arith.constant 0 : i32
      %dma_start3A_120 = arith.constant 0 : i32
      %dma_start3A_121 = tpu.memref_slice %arg3[%add3A, %dma_start3A_119, %dma_start3A_120] : memref<32x2x128xi32, #tpu.memory_space<hbm>> -> memref<1x2x128xi32, #tpu.memory_space<hbm>>
      %dma_start3A_122 = tpu.memref_squeeze %dma_start3A_121 : memref<1x2x128xi32, #tpu.memory_space<hbm>> -> memref<2x128xi32, #tpu.memory_space<hbm>>
      %dma_start3A_123 = arith.constant 0 : i32
      %dma_start3A_124 = arith.constant 0 : i32
      %dma_start3A_125 = tpu.memref_slice %arg3[%add3A, %dma_start3A_123, %dma_start3A_124] : memref<32x2x128xi32, #tpu.memory_space<hbm>> -> memref<1x2x128xi32, #tpu.memory_space<hbm>>
      %dma_start3A_126 = tpu.memref_squeeze %dma_start3A_125 : memref<1x2x128xi32, #tpu.memory_space<hbm>> -> memref<2x128xi32, #tpu.memory_space<hbm>>
      tpu.enqueue_dma source(%dma_start3A_126 : memref<2x128xi32, #tpu.memory_space<hbm>>) target(%arg7 : memref<2x128xi32, #tpu.memory_space<vmem>>) target_semaphore(%run_scoped3A_118 : memref<!tpu.dma_semaphore, #tpu.memory_space<semaphore_mem>>)
      %dma_wait3A_127 = arith.constant 0 : i32
      %dma_wait3A_128 = arith.constant 0 : i32
      %dma_wait3A_129 = tpu.memref_slice %arg3[%add3A, %dma_wait3A_127, %dma_wait3A_128] : memref<32x2x128xi32, #tpu.memory_space<hbm>> -> memref<1x2x128xi32, #tpu.memory_space<hbm>>
      %dma_wait3A_130 = tpu.memref_squeeze %dma_wait3A_129 : memref<1x2x128xi32, #tpu.memory_space<hbm>> -> memref<2x128xi32, #tpu.memory_space<hbm>>
      %dma_wait3A_131 = arith.constant 0 : i32
      %dma_wait3A_132 = arith.constant 0 : i32
      %dma_wait3A_133 = tpu.memref_slice %arg3[%add3A, %dma_wait3A_131, %dma_wait3A_132] : memref<32x2x128xi32, #tpu.memory_space<hbm>> -> memref<1x2x128xi32, #tpu.memory_space<hbm>>
      %dma_wait3A_134 = tpu.memref_squeeze %dma_wait3A_133 : memref<1x2x128xi32, #tpu.memory_space<hbm>> -> memref<2x128xi32, #tpu.memory_space<hbm>>
      tpu.wait_dma2 semaphore(%run_scoped3A_118 : memref<!tpu.dma_semaphore, #tpu.memory_space<semaphore_mem>>) src(%dma_wait3A_134 : memref<2x128xi32, #tpu.memory_space<hbm>>) dst(%arg7 : memref<2x128xi32, #tpu.memory_space<vmem>>)
      tpu.yield
    }) : () -> ()
    "tpu.region"() ({
      %run_scoped3A_118 = tpu.sem_alloc : memref<!tpu.dma_semaphore, #tpu.memory_space<semaphore_mem>>
      tpu.enqueue_dma source(%arg4 : memref<8192xf32, #tpu.memory_space<hbm>>) target(%arg9 : memref<8192xf32, #tpu.memory_space<vmem>>) target_semaphore(%run_scoped3A_118 : memref<!tpu.dma_semaphore, #tpu.memory_space<semaphore_mem>>)
      tpu.wait_dma2 semaphore(%run_scoped3A_118 : memref<!tpu.dma_semaphore, #tpu.memory_space<semaphore_mem>>) src(%arg4 : memref<8192xf32, #tpu.memory_space<hbm>>) dst(%arg9 : memref<8192xf32, #tpu.memory_space<vmem>>)
      tpu.yield
    }) : () -> ()
    %dma_start3A = arith.constant 0 : i32
    %dma_start3A_3 = arith.constant 0 : i32
    %dma_start3A_4 = arith.constant 0 : i32
    %dma_start3A_5 = arith.constant 0 : i32
    %dma_start3A_6 = tpu.memref_slice %arg8[%dma_start3A_3, %dma_start3A_4, %dma_start3A_5] : memref<2x128x32xf32, #tpu.memory_space<vmem>> -> memref<1x128x32xf32, #tpu.memory_space<vmem>>
    %dma_start3A_7 = tpu.memref_squeeze %dma_start3A_6 : memref<1x128x32xf32, #tpu.memory_space<vmem>> -> memref<128x32xf32, #tpu.memory_space<vmem>>
    %dma_start3A_8 = arith.constant 0 : i32
    %dma_start3A_9 = tpu.memref_slice %arg7[%dma_start3A, %dma_start3A_8] : memref<2x128xi32, #tpu.memory_space<vmem>> -> memref<1x128xi32, #tpu.memory_space<vmem>>
    %dma_start3A_10 = tpu.memref_squeeze %dma_start3A_9 : memref<1x128xi32, #tpu.memory_space<vmem>> -> memref<128xi32, #tpu.memory_space<vmem>>
    %dma_start3A_11 = arith.constant 0 : i32
    %dma_start3A_12 = arith.constant 0 : i32
    %dma_start3A_13 = tpu.memref_slice %arg2[%dma_start3A_11, %dma_start3A_12] : memref<8192x32xf32, #tpu.memory_space<hbm>> -> memref<8192x32xf32, #tpu.memory_space<hbm>>
    tpu.enqueue_indirect_dma source(%dma_start3A_13 : memref<8192x32xf32, #tpu.memory_space<hbm>>) target(%dma_start3A_7 : memref<128x32xf32, #tpu.memory_space<vmem>>) offsets(%dma_start3A_10 : memref<128xi32, #tpu.memory_space<vmem>>) semaphore(%arg10 : memref<!tpu.dma_semaphore, #tpu.memory_space<semaphore_mem>>)
    %dma_start3A_14 = arith.constant 1 : i32
    %dma_start3A_15 = arith.constant 1 : i32
    %dma_start3A_16 = arith.constant 0 : i32
    %dma_start3A_17 = arith.constant 0 : i32
    %dma_start3A_18 = tpu.memref_slice %arg8[%dma_start3A_15, %dma_start3A_16, %dma_start3A_17] : memref<2x128x32xf32, #tpu.memory_space<vmem>> -> memref<1x128x32xf32, #tpu.memory_space<vmem>>
    %dma_start3A_19 = tpu.memref_squeeze %dma_start3A_18 : memref<1x128x32xf32, #tpu.memory_space<vmem>> -> memref<128x32xf32, #tpu.memory_space<vmem>>
    %dma_start3A_20 = arith.constant 0 : i32
    %dma_start3A_21 = tpu.memref_slice %arg7[%dma_start3A_14, %dma_start3A_20] : memref<2x128xi32, #tpu.memory_space<vmem>> -> memref<1x128xi32, #tpu.memory_space<vmem>>
    %dma_start3A_22 = tpu.memref_squeeze %dma_start3A_21 : memref<1x128xi32, #tpu.memory_space<vmem>> -> memref<128xi32, #tpu.memory_space<vmem>>
    %dma_start3A_23 = arith.constant 0 : i32
    %dma_start3A_24 = arith.constant 0 : i32
    %dma_start3A_25 = tpu.memref_slice %arg2[%dma_start3A_23, %dma_start3A_24] : memref<8192x32xf32, #tpu.memory_space<hbm>> -> memref<8192x32xf32, #tpu.memory_space<hbm>>
    tpu.enqueue_indirect_dma source(%dma_start3A_25 : memref<8192x32xf32, #tpu.memory_space<hbm>>) target(%dma_start3A_19 : memref<128x32xf32, #tpu.memory_space<vmem>>) offsets(%dma_start3A_22 : memref<128xi32, #tpu.memory_space<vmem>>) semaphore(%arg10 : memref<!tpu.dma_semaphore, #tpu.memory_space<semaphore_mem>>)
    %dma_wait3A = arith.constant 0 : i32
    %dma_wait3A_26 = arith.constant 0 : i32
    %dma_wait3A_27 = arith.constant 0 : i32
    %dma_wait3A_28 = arith.constant 0 : i32
    %dma_wait3A_29 = tpu.memref_slice %arg8[%dma_wait3A_26, %dma_wait3A_27, %dma_wait3A_28] : memref<2x128x32xf32, #tpu.memory_space<vmem>> -> memref<1x128x32xf32, #tpu.memory_space<vmem>>
    %dma_wait3A_30 = tpu.memref_squeeze %dma_wait3A_29 : memref<1x128x32xf32, #tpu.memory_space<vmem>> -> memref<128x32xf32, #tpu.memory_space<vmem>>
    %dma_wait3A_31 = arith.constant 0 : i32
    %dma_wait3A_32 = tpu.memref_slice %arg7[%dma_wait3A, %dma_wait3A_31] : memref<2x128xi32, #tpu.memory_space<vmem>> -> memref<1x128xi32, #tpu.memory_space<vmem>>
    %dma_wait3A_33 = tpu.memref_squeeze %dma_wait3A_32 : memref<1x128xi32, #tpu.memory_space<vmem>> -> memref<128xi32, #tpu.memory_space<vmem>>
    %dma_wait3A_34 = arith.constant 0 : i32
    %dma_wait3A_35 = arith.constant 0 : i32
    %dma_wait3A_36 = tpu.memref_slice %arg2[%dma_wait3A_34, %dma_wait3A_35] : memref<8192x32xf32, #tpu.memory_space<hbm>> -> memref<8192x32xf32, #tpu.memory_space<hbm>>
    tpu.wait_indirect_dma semaphore(%arg10 : memref<!tpu.dma_semaphore, #tpu.memory_space<semaphore_mem>>) src(%dma_wait3A_36 : memref<8192x32xf32, #tpu.memory_space<hbm>>) dst(%dma_wait3A_30 : memref<128x32xf32, #tpu.memory_space<vmem>>)
    %add3A_37 = arith.constant 0 : i32
    %add3A_38 = arith.addi %mul3A_2, %add3A_37 : i32
    %run_scoped3A = arith.constant 0 : i32
    "tpu.region"() ({
      %run_scoped3A_118 = tpu.sem_alloc : memref<!tpu.dma_semaphore, #tpu.memory_space<semaphore_mem>>
      %dma_start3A_119 = arith.constant 0 : i32
      %dma_start3A_120 = arith.constant 0 : i32
      %dma_start3A_121 = tpu.memref_slice %arg8[%run_scoped3A, %dma_start3A_119, %dma_start3A_120] : memref<2x128x32xf32, #tpu.memory_space<vmem>> -> memref<1x128x32xf32, #tpu.memory_space<vmem>>
      %dma_start3A_122 = tpu.memref_squeeze %dma_start3A_121 : memref<1x128x32xf32, #tpu.memory_space<vmem>> -> memref<128x32xf32, #tpu.memory_space<vmem>>
      %dma_start3A_123 = arith.constant 0 : i32
      %dma_start3A_124 = tpu.memref_slice %arg5[%add3A_38, %dma_start3A_123] : memref<8192x32xf32, #tpu.memory_space<hbm>> -> memref<128x32xf32, #tpu.memory_space<hbm>>
      %dma_start3A_125 = arith.constant 0 : i32
      %dma_start3A_126 = tpu.memref_slice %arg5[%add3A_38, %dma_start3A_125] : memref<8192x32xf32, #tpu.memory_space<hbm>> -> memref<128x32xf32, #tpu.memory_space<hbm>>
      %dma_start3A_127 = arith.constant 0 : i32
      %dma_start3A_128 = arith.constant 0 : i32
      %dma_start3A_129 = tpu.memref_slice %arg8[%run_scoped3A, %dma_start3A_127, %dma_start3A_128] : memref<2x128x32xf32, #tpu.memory_space<vmem>> -> memref<1x128x32xf32, #tpu.memory_space<vmem>>
      %dma_start3A_130 = tpu.memref_squeeze %dma_start3A_129 : memref<1x128x32xf32, #tpu.memory_space<vmem>> -> memref<128x32xf32, #tpu.memory_space<vmem>>
      tpu.enqueue_dma source(%dma_start3A_130 : memref<128x32xf32, #tpu.memory_space<vmem>>) target(%dma_start3A_126 : memref<128x32xf32, #tpu.memory_space<hbm>>) target_semaphore(%run_scoped3A_118 : memref<!tpu.dma_semaphore, #tpu.memory_space<semaphore_mem>>)
      %dma_wait3A_131 = arith.constant 0 : i32
      %dma_wait3A_132 = arith.constant 0 : i32
      %dma_wait3A_133 = tpu.memref_slice %arg8[%run_scoped3A, %dma_wait3A_131, %dma_wait3A_132] : memref<2x128x32xf32, #tpu.memory_space<vmem>> -> memref<1x128x32xf32, #tpu.memory_space<vmem>>
      %dma_wait3A_134 = tpu.memref_squeeze %dma_wait3A_133 : memref<1x128x32xf32, #tpu.memory_space<vmem>> -> memref<128x32xf32, #tpu.memory_space<vmem>>
      %dma_wait3A_135 = arith.constant 0 : i32
      %dma_wait3A_136 = tpu.memref_slice %arg5[%add3A_38, %dma_wait3A_135] : memref<8192x32xf32, #tpu.memory_space<hbm>> -> memref<128x32xf32, #tpu.memory_space<hbm>>
      %dma_wait3A_137 = arith.constant 0 : i32
      %dma_wait3A_138 = tpu.memref_slice %arg5[%add3A_38, %dma_wait3A_137] : memref<8192x32xf32, #tpu.memory_space<hbm>> -> memref<128x32xf32, #tpu.memory_space<hbm>>
      %dma_wait3A_139 = arith.constant 0 : i32
      %dma_wait3A_140 = arith.constant 0 : i32
      %dma_wait3A_141 = tpu.memref_slice %arg8[%run_scoped3A, %dma_wait3A_139, %dma_wait3A_140] : memref<2x128x32xf32, #tpu.memory_space<vmem>> -> memref<1x128x32xf32, #tpu.memory_space<vmem>>
      %dma_wait3A_142 = tpu.memref_squeeze %dma_wait3A_141 : memref<1x128x32xf32, #tpu.memory_space<vmem>> -> memref<128x32xf32, #tpu.memory_space<vmem>>
      tpu.wait_dma2 semaphore(%run_scoped3A_118 : memref<!tpu.dma_semaphore, #tpu.memory_space<semaphore_mem>>) src(%dma_wait3A_142 : memref<128x32xf32, #tpu.memory_space<vmem>>) dst(%dma_wait3A_138 : memref<128x32xf32, #tpu.memory_space<hbm>>)
      tpu.yield
    }) : () -> ()
    %dma_wait3A_39 = arith.constant 1 : i32
    %dma_wait3A_40 = arith.constant 1 : i32
    %dma_wait3A_41 = arith.constant 0 : i32
    %dma_wait3A_42 = arith.constant 0 : i32
    %dma_wait3A_43 = tpu.memref_slice %arg8[%dma_wait3A_40, %dma_wait3A_41, %dma_wait3A_42] : memref<2x128x32xf32, #tpu.memory_space<vmem>> -> memref<1x128x32xf32, #tpu.memory_space<vmem>>
    %dma_wait3A_44 = tpu.memref_squeeze %dma_wait3A_43 : memref<1x128x32xf32, #tpu.memory_space<vmem>> -> memref<128x32xf32, #tpu.memory_space<vmem>>
    %dma_wait3A_45 = arith.constant 0 : i32
    %dma_wait3A_46 = tpu.memref_slice %arg7[%dma_wait3A_39, %dma_wait3A_45] : memref<2x128xi32, #tpu.memory_space<vmem>> -> memref<1x128xi32, #tpu.memory_space<vmem>>
    %dma_wait3A_47 = tpu.memref_squeeze %dma_wait3A_46 : memref<1x128xi32, #tpu.memory_space<vmem>> -> memref<128xi32, #tpu.memory_space<vmem>>
    %dma_wait3A_48 = arith.constant 0 : i32
    %dma_wait3A_49 = arith.constant 0 : i32
    %dma_wait3A_50 = tpu.memref_slice %arg2[%dma_wait3A_48, %dma_wait3A_49] : memref<8192x32xf32, #tpu.memory_space<hbm>> -> memref<8192x32xf32, #tpu.memory_space<hbm>>
    tpu.wait_indirect_dma semaphore(%arg10 : memref<!tpu.dma_semaphore, #tpu.memory_space<semaphore_mem>>) src(%dma_wait3A_50 : memref<8192x32xf32, #tpu.memory_space<hbm>>) dst(%dma_wait3A_44 : memref<128x32xf32, #tpu.memory_space<vmem>>)
    %add3A_51 = arith.constant 128 : i32
    %add3A_52 = arith.addi %mul3A_2, %add3A_51 : i32
    %run_scoped3A_53 = arith.constant 1 : i32
    "tpu.region"() ({
      %run_scoped3A_118 = tpu.sem_alloc : memref<!tpu.dma_semaphore, #tpu.memory_space<semaphore_mem>>
      %dma_start3A_119 = arith.constant 0 : i32
      %dma_start3A_120 = arith.constant 0 : i32
      %dma_start3A_121 = tpu.memref_slice %arg8[%run_scoped3A_53, %dma_start3A_119, %dma_start3A_120] : memref<2x128x32xf32, #tpu.memory_space<vmem>> -> memref<1x128x32xf32, #tpu.memory_space<vmem>>
      %dma_start3A_122 = tpu.memref_squeeze %dma_start3A_121 : memref<1x128x32xf32, #tpu.memory_space<vmem>> -> memref<128x32xf32, #tpu.memory_space<vmem>>
      %dma_start3A_123 = arith.constant 0 : i32
      %dma_start3A_124 = tpu.memref_slice %arg5[%add3A_52, %dma_start3A_123] : memref<8192x32xf32, #tpu.memory_space<hbm>> -> memref<128x32xf32, #tpu.memory_space<hbm>>
      %dma_start3A_125 = arith.constant 0 : i32
      %dma_start3A_126 = tpu.memref_slice %arg5[%add3A_52, %dma_start3A_125] : memref<8192x32xf32, #tpu.memory_space<hbm>> -> memref<128x32xf32, #tpu.memory_space<hbm>>
      %dma_start3A_127 = arith.constant 0 : i32
      %dma_start3A_128 = arith.constant 0 : i32
      %dma_start3A_129 = tpu.memref_slice %arg8[%run_scoped3A_53, %dma_start3A_127, %dma_start3A_128] : memref<2x128x32xf32, #tpu.memory_space<vmem>> -> memref<1x128x32xf32, #tpu.memory_space<vmem>>
      %dma_start3A_130 = tpu.memref_squeeze %dma_start3A_129 : memref<1x128x32xf32, #tpu.memory_space<vmem>> -> memref<128x32xf32, #tpu.memory_space<vmem>>
      tpu.enqueue_dma source(%dma_start3A_130 : memref<128x32xf32, #tpu.memory_space<vmem>>) target(%dma_start3A_126 : memref<128x32xf32, #tpu.memory_space<hbm>>) target_semaphore(%run_scoped3A_118 : memref<!tpu.dma_semaphore, #tpu.memory_space<semaphore_mem>>)
      %dma_wait3A_131 = arith.constant 0 : i32
      %dma_wait3A_132 = arith.constant 0 : i32
      %dma_wait3A_133 = tpu.memref_slice %arg8[%run_scoped3A_53, %dma_wait3A_131, %dma_wait3A_132] : memref<2x128x32xf32, #tpu.memory_space<vmem>> -> memref<1x128x32xf32, #tpu.memory_space<vmem>>
      %dma_wait3A_134 = tpu.memref_squeeze %dma_wait3A_133 : memref<1x128x32xf32, #tpu.memory_space<vmem>> -> memref<128x32xf32, #tpu.memory_space<vmem>>
      %dma_wait3A_135 = arith.constant 0 : i32
      %dma_wait3A_136 = tpu.memref_slice %arg5[%add3A_52, %dma_wait3A_135] : memref<8192x32xf32, #tpu.memory_space<hbm>> -> memref<128x32xf32, #tpu.memory_space<hbm>>
      %dma_wait3A_137 = arith.constant 0 : i32
      %dma_wait3A_138 = tpu.memref_slice %arg5[%add3A_52, %dma_wait3A_137] : memref<8192x32xf32, #tpu.memory_space<hbm>> -> memref<128x32xf32, #tpu.memory_space<hbm>>
      %dma_wait3A_139 = arith.constant 0 : i32
      %dma_wait3A_140 = arith.constant 0 : i32
      %dma_wait3A_141 = tpu.memref_slice %arg8[%run_scoped3A_53, %dma_wait3A_139, %dma_wait3A_140] : memref<2x128x32xf32, #tpu.memory_space<vmem>> -> memref<1x128x32xf32, #tpu.memory_space<vmem>>
      %dma_wait3A_142 = tpu.memref_squeeze %dma_wait3A_141 : memref<1x128x32xf32, #tpu.memory_space<vmem>> -> memref<128x32xf32, #tpu.memory_space<vmem>>
      tpu.wait_dma2 semaphore(%run_scoped3A_118 : memref<!tpu.dma_semaphore, #tpu.memory_space<semaphore_mem>>) src(%dma_wait3A_142 : memref<128x32xf32, #tpu.memory_space<vmem>>) dst(%dma_wait3A_138 : memref<128x32xf32, #tpu.memory_space<hbm>>)
      tpu.yield
    }) : () -> ()
    %broadcast_in_dim3A = arith.constant 1.000000e+00 : f32
    %broadcast_in_dim3A_54 = vector.broadcast %broadcast_in_dim3A : f32 to vector<16xf32>
    %get3A = arith.constant 0 : i32
    %get3A_55 = arith.index_cast %get3A : i32 to index
    %get3A_56 = arith.constant 0 : index
    %get3A_57 = tpu.vector_load %arg7[%get3A_55, %get3A_56] {strides = array<i32>} : memref<2x128xi32, #tpu.memory_space<vmem>>, vector<16xi32>,
    tpu.vector_store_idx %arg9[%get3A_57], %broadcast_in_dim3A_54 {add = true} : memref<8192xf32, #tpu.memory_space<vmem>>[vector<16xi32>], vector<16xf32>,
    %get3A_58 = arith.constant 0 : i32
    %get3A_59 = arith.index_cast %get3A_58 : i32 to index
    %get3A_60 = arith.constant 16 : index
    %get3A_61 = tpu.vector_load %arg7[%get3A_59, %get3A_60] {strides = array<i32>} : memref<2x128xi32, #tpu.memory_space<vmem>>, vector<16xi32>,
    tpu.vector_store_idx %arg9[%get3A_61], %broadcast_in_dim3A_54 {add = true} : memref<8192xf32, #tpu.memory_space<vmem>>[vector<16xi32>], vector<16xf32>,
    %get3A_62 = arith.constant 0 : i32
    %get3A_63 = arith.index_cast %get3A_62 : i32 to index
    %get3A_64 = arith.constant 32 : index
    %get3A_65 = tpu.vector_load %arg7[%get3A_63, %get3A_64] {strides = array<i32>} : memref<2x128xi32, #tpu.memory_space<vmem>>, vector<16xi32>,
    tpu.vector_store_idx %arg9[%get3A_65], %broadcast_in_dim3A_54 {add = true} : memref<8192xf32, #tpu.memory_space<vmem>>[vector<16xi32>], vector<16xf32>,
    %get3A_66 = arith.constant 0 : i32
    %get3A_67 = arith.index_cast %get3A_66 : i32 to index
    %get3A_68 = arith.constant 48 : index
    %get3A_69 = tpu.vector_load %arg7[%get3A_67, %get3A_68] {strides = array<i32>} : memref<2x128xi32, #tpu.memory_space<vmem>>, vector<16xi32>,
    tpu.vector_store_idx %arg9[%get3A_69], %broadcast_in_dim3A_54 {add = true} : memref<8192xf32, #tpu.memory_space<vmem>>[vector<16xi32>], vector<16xf32>,
    %get3A_70 = arith.constant 0 : i32
    %get3A_71 = arith.index_cast %get3A_70 : i32 to index
    %get3A_72 = arith.constant 64 : index
    %get3A_73 = tpu.vector_load %arg7[%get3A_71, %get3A_72] {strides = array<i32>} : memref<2x128xi32, #tpu.memory_space<vmem>>, vector<16xi32>,
    tpu.vector_store_idx %arg9[%get3A_73], %broadcast_in_dim3A_54 {add = true} : memref<8192xf32, #tpu.memory_space<vmem>>[vector<16xi32>], vector<16xf32>,
    %get3A_74 = arith.constant 0 : i32
    %get3A_75 = arith.index_cast %get3A_74 : i32 to index
    %get3A_76 = arith.constant 80 : index
    %get3A_77 = tpu.vector_load %arg7[%get3A_75, %get3A_76] {strides = array<i32>} : memref<2x128xi32, #tpu.memory_space<vmem>>, vector<16xi32>,
    tpu.vector_store_idx %arg9[%get3A_77], %broadcast_in_dim3A_54 {add = true} : memref<8192xf32, #tpu.memory_space<vmem>>[vector<16xi32>], vector<16xf32>,
    %get3A_78 = arith.constant 0 : i32
    %get3A_79 = arith.index_cast %get3A_78 : i32 to index
    %get3A_80 = arith.constant 96 : index
    %get3A_81 = tpu.vector_load %arg7[%get3A_79, %get3A_80] {strides = array<i32>} : memref<2x128xi32, #tpu.memory_space<vmem>>, vector<16xi32>,
    tpu.vector_store_idx %arg9[%get3A_81], %broadcast_in_dim3A_54 {add = true} : memref<8192xf32, #tpu.memory_space<vmem>>[vector<16xi32>], vector<16xf32>,
    %get3A_82 = arith.constant 0 : i32
    %get3A_83 = arith.index_cast %get3A_82 : i32 to index
    %get3A_84 = arith.constant 112 : index
    %get3A_85 = tpu.vector_load %arg7[%get3A_83, %get3A_84] {strides = array<i32>} : memref<2x128xi32, #tpu.memory_space<vmem>>, vector<16xi32>,
    tpu.vector_store_idx %arg9[%get3A_85], %broadcast_in_dim3A_54 {add = true} : memref<8192xf32, #tpu.memory_space<vmem>>[vector<16xi32>], vector<16xf32>,
    %get3A_86 = arith.constant 1 : i32
    %get3A_87 = arith.index_cast %get3A_86 : i32 to index
    %get3A_88 = arith.constant 0 : index
    %get3A_89 = tpu.vector_load %arg7[%get3A_87, %get3A_88] {strides = array<i32>} : memref<2x128xi32, #tpu.memory_space<vmem>>, vector<16xi32>,
    tpu.vector_store_idx %arg9[%get3A_89], %broadcast_in_dim3A_54 {add = true} : memref<8192xf32, #tpu.memory_space<vmem>>[vector<16xi32>], vector<16xf32>,
    %get3A_90 = arith.constant 1 : i32
    %get3A_91 = arith.index_cast %get3A_90 : i32 to index
    %get3A_92 = arith.constant 16 : index
    %get3A_93 = tpu.vector_load %arg7[%get3A_91, %get3A_92] {strides = array<i32>} : memref<2x128xi32, #tpu.memory_space<vmem>>, vector<16xi32>,
    tpu.vector_store_idx %arg9[%get3A_93], %broadcast_in_dim3A_54 {add = true} : memref<8192xf32, #tpu.memory_space<vmem>>[vector<16xi32>], vector<16xf32>,
    %get3A_94 = arith.constant 1 : i32
    %get3A_95 = arith.index_cast %get3A_94 : i32 to index
    %get3A_96 = arith.constant 32 : index
    %get3A_97 = tpu.vector_load %arg7[%get3A_95, %get3A_96] {strides = array<i32>} : memref<2x128xi32, #tpu.memory_space<vmem>>, vector<16xi32>,
    tpu.vector_store_idx %arg9[%get3A_97], %broadcast_in_dim3A_54 {add = true} : memref<8192xf32, #tpu.memory_space<vmem>>[vector<16xi32>], vector<16xf32>,
    %get3A_98 = arith.constant 1 : i32
    %get3A_99 = arith.index_cast %get3A_98 : i32 to index
    %get3A_100 = arith.constant 48 : index
    %get3A_101 = tpu.vector_load %arg7[%get3A_99, %get3A_100] {strides = array<i32>} : memref<2x128xi32, #tpu.memory_space<vmem>>, vector<16xi32>,
    tpu.vector_store_idx %arg9[%get3A_101], %broadcast_in_dim3A_54 {add = true} : memref<8192xf32, #tpu.memory_space<vmem>>[vector<16xi32>], vector<16xf32>,
    %get3A_102 = arith.constant 1 : i32
    %get3A_103 = arith.index_cast %get3A_102 : i32 to index
    %get3A_104 = arith.constant 64 : index
    %get3A_105 = tpu.vector_load %arg7[%get3A_103, %get3A_104] {strides = array<i32>} : memref<2x128xi32, #tpu.memory_space<vmem>>, vector<16xi32>,
    tpu.vector_store_idx %arg9[%get3A_105], %broadcast_in_dim3A_54 {add = true} : memref<8192xf32, #tpu.memory_space<vmem>>[vector<16xi32>], vector<16xf32>,
    %get3A_106 = arith.constant 1 : i32
    %get3A_107 = arith.index_cast %get3A_106 : i32 to index
    %get3A_108 = arith.constant 80 : index
    %get3A_109 = tpu.vector_load %arg7[%get3A_107, %get3A_108] {strides = array<i32>} : memref<2x128xi32, #tpu.memory_space<vmem>>, vector<16xi32>,
    tpu.vector_store_idx %arg9[%get3A_109], %broadcast_in_dim3A_54 {add = true} : memref<8192xf32, #tpu.memory_space<vmem>>[vector<16xi32>], vector<16xf32>,
    %get3A_110 = arith.constant 1 : i32
    %get3A_111 = arith.index_cast %get3A_110 : i32 to index
    %get3A_112 = arith.constant 96 : index
    %get3A_113 = tpu.vector_load %arg7[%get3A_111, %get3A_112] {strides = array<i32>} : memref<2x128xi32, #tpu.memory_space<vmem>>, vector<16xi32>,
    tpu.vector_store_idx %arg9[%get3A_113], %broadcast_in_dim3A_54 {add = true} : memref<8192xf32, #tpu.memory_space<vmem>>[vector<16xi32>], vector<16xf32>,
    %get3A_114 = arith.constant 1 : i32
    %get3A_115 = arith.index_cast %get3A_114 : i32 to index
    %get3A_116 = arith.constant 112 : index
    %get3A_117 = tpu.vector_load %arg7[%get3A_115, %get3A_116] {strides = array<i32>} : memref<2x128xi32, #tpu.memory_space<vmem>>, vector<16xi32>,
    tpu.vector_store_idx %arg9[%get3A_117], %broadcast_in_dim3A_54 {add = true} : memref<8192xf32, #tpu.memory_space<vmem>>[vector<16xi32>], vector<16xf32>,
    "tpu.region"() ({
      %run_scoped3A_118 = tpu.sem_alloc : memref<!tpu.dma_semaphore, #tpu.memory_space<semaphore_mem>>
      %dma_start3A_119 = arith.constant 0 : i32
      %dma_start3A_120 = tpu.memref_slice %arg6[%add3A, %dma_start3A_119] : memref<32x8192xf32, #tpu.memory_space<hbm>> -> memref<1x8192xf32, #tpu.memory_space<hbm>>
      %dma_start3A_121 = tpu.memref_squeeze %dma_start3A_120 : memref<1x8192xf32, #tpu.memory_space<hbm>> -> memref<8192xf32, #tpu.memory_space<hbm>>
      %dma_start3A_122 = arith.constant 0 : i32
      %dma_start3A_123 = tpu.memref_slice %arg6[%add3A, %dma_start3A_122] : memref<32x8192xf32, #tpu.memory_space<hbm>> -> memref<1x8192xf32, #tpu.memory_space<hbm>>
      %dma_start3A_124 = tpu.memref_squeeze %dma_start3A_123 : memref<1x8192xf32, #tpu.memory_space<hbm>> -> memref<8192xf32, #tpu.memory_space<hbm>>
      tpu.enqueue_dma source(%arg9 : memref<8192xf32, #tpu.memory_space<vmem>>) target(%dma_start3A_124 : memref<8192xf32, #tpu.memory_space<hbm>>) target_semaphore(%run_scoped3A_118 : memref<!tpu.dma_semaphore, #tpu.memory_space<semaphore_mem>>)
      %dma_wait3A_125 = arith.constant 0 : i32
      %dma_wait3A_126 = tpu.memref_slice %arg6[%add3A, %dma_wait3A_125] : memref<32x8192xf32, #tpu.memory_space<hbm>> -> memref<1x8192xf32, #tpu.memory_space<hbm>>
      %dma_wait3A_127 = tpu.memref_squeeze %dma_wait3A_126 : memref<1x8192xf32, #tpu.memory_space<hbm>> -> memref<8192xf32, #tpu.memory_space<hbm>>
      %dma_wait3A_128 = arith.constant 0 : i32
      %dma_wait3A_129 = tpu.memref_slice %arg6[%add3A, %dma_wait3A_128] : memref<32x8192xf32, #tpu.memory_space<hbm>> -> memref<1x8192xf32, #tpu.memory_space<hbm>>
      %dma_wait3A_130 = tpu.memref_squeeze %dma_wait3A_129 : memref<1x8192xf32, #tpu.memory_space<hbm>> -> memref<8192xf32, #tpu.memory_space<hbm>>
      tpu.wait_dma2 semaphore(%run_scoped3A_118 : memref<!tpu.dma_semaphore, #tpu.memory_space<semaphore_mem>>) src(%arg9 : memref<8192xf32, #tpu.memory_space<vmem>>) dst(%dma_wait3A_130 : memref<8192xf32, #tpu.memory_space<hbm>>)
      tpu.yield
    }) : () -> ()
    return
  }
}

#map = affine_map<(d0, d1) -> (0)>
module attributes {stable_mosaic.version = 14 : i64} {
  func.func @_sc_warmup(%arg0: i32, %arg1: i32, %arg2: memref<16xf32, #tpu.memory_space<hbm>>, %arg3: memref<16xf32, #tpu.memory_space<hbm>>, %arg4: memref<16xf32, #tpu.memory_space<vmem>>) attributes {dimension_semantics = [#tpu.dimension_semantics<core_parallel>, #tpu.dimension_semantics<subcore_parallel>], iteration_bounds = array<i64: 2, 16>, scalar_prefetch = 0 : i64, scratch_operands = 1 : i64, tpu.core_type = #tpu.core_type<sc_vector_subcore>, window_params = [{transform_indices = #map}, {transform_indices = #map}]} {
    %mul3A = arith.constant 2 : i32
    %mul3A_0 = arith.muli %arg1, %mul3A : i32
    %add3A = arith.addi %mul3A_0, %arg0 : i32
    %eq3A = arith.constant 0 : i32
    %eq3A_1 = arith.cmpi eq, %add3A, %eq3A : i32
    %convert_element_type3A = arith.extui %eq3A_1 : i1 to i32
    %cond3A = arith.constant 0 : i32
    %cond3A_2 = arith.cmpi ne, %convert_element_type3A, %cond3A : i32
    scf.if %cond3A_2 {
      "tpu.region"() ({
        %run_scoped3A = tpu.sem_alloc : memref<!tpu.dma_semaphore, #tpu.memory_space<semaphore_mem>>
        tpu.enqueue_dma source(%arg2 : memref<16xf32, #tpu.memory_space<hbm>>) target(%arg4 : memref<16xf32, #tpu.memory_space<vmem>>) target_semaphore(%run_scoped3A : memref<!tpu.dma_semaphore, #tpu.memory_space<semaphore_mem>>)
        tpu.wait_dma2 semaphore(%run_scoped3A : memref<!tpu.dma_semaphore, #tpu.memory_space<semaphore_mem>>) src(%arg2 : memref<16xf32, #tpu.memory_space<hbm>>) dst(%arg4 : memref<16xf32, #tpu.memory_space<vmem>>)
        tpu.yield
      }) : () -> ()
      "tpu.region"() ({
        %run_scoped3A = tpu.sem_alloc : memref<!tpu.dma_semaphore, #tpu.memory_space<semaphore_mem>>
        tpu.enqueue_dma source(%arg4 : memref<16xf32, #tpu.memory_space<vmem>>) target(%arg3 : memref<16xf32, #tpu.memory_space<hbm>>) target_semaphore(%run_scoped3A : memref<!tpu.dma_semaphore, #tpu.memory_space<semaphore_mem>>)
        tpu.wait_dma2 semaphore(%run_scoped3A : memref<!tpu.dma_semaphore, #tpu.memory_space<semaphore_mem>>) src(%arg4 : memref<16xf32, #tpu.memory_space<vmem>>) dst(%arg3 : memref<16xf32, #tpu.memory_space<hbm>>)
        tpu.yield
      }) : () -> ()
    } else {
    }
    return
  }
}

module attributes {stable_mosaic.version = 14 : i64} {
  func.func @_dist_kernel(%arg0: i32, %arg1: i32, %arg2: memref<256x1xf32, #tpu.memory_space<vmem>>, %arg3: memref<1x8192xf32, #tpu.memory_space<vmem>>, %arg4: memref<256x32xf32, #tpu.memory_space<vmem>>, %arg5: memref<8192x32xf32, #tpu.memory_space<vmem>>, %arg6: memref<256x8192xf32, #tpu.memory_space<vmem>>, %arg7: memref<256x1xi32, #tpu.memory_space<vmem>>, %arg8: memref<256x128xf32, #tpu.memory_space<vmem>>, %arg9: memref<256x128xi32, #tpu.memory_space<vmem>>) attributes {dimension_semantics = [#tpu.dimension_semantics<arbitrary>, #tpu.dimension_semantics<arbitrary>], iteration_bounds = array<i64: 32, 1>, scalar_prefetch = 0 : i64, scratch_operands = 2 : i64, tpu.core_type = #tpu.core_type<tc>, window_params = [{transform_indices = @transform_0, window_bounds = array<i64: 256, 1>}, {transform_indices = @transform_1, window_bounds = array<i64: 1, 8192>}, {transform_indices = @transform_2, window_bounds = array<i64: 256, 32>}, {transform_indices = @transform_3, window_bounds = array<i64: 8192, 32>}, {transform_indices = @transform_4, window_bounds = array<i64: 256, 8192>}, {transform_indices = @transform_5, window_bounds = array<i64: 256, 1>}]} {
    %get3A = arith.constant 0 : index
    %get3A_0 = arith.constant 0 : index
    %get3A_1 = vector.load %arg4[%get3A, %get3A_0] : memref<256x32xf32, #tpu.memory_space<vmem>>, vector<256x32xf32>
    %get3A_2 = arith.constant 0 : index
    %get3A_3 = arith.constant 0 : index
    %get3A_4 = vector.load %arg5[%get3A_2, %get3A_3] : memref<8192x32xf32, #tpu.memory_space<vmem>>, vector<8192x32xf32>
    %mul3A = arith.constant -2.000000e+00 : f32
    %mul3A_5 = vector.broadcast %mul3A : f32 to vector<8192x32xf32>
    %mul3A_6 = arith.mulf %mul3A_5, %get3A_4 : vector<8192x32xf32>
    %dot_general3A = arith.constant dense<0.000000e+00> : vector<256x8192xf32>
    %dot_general3A_7 = tpu.matmul %get3A_1, %mul3A_6, %dot_general3A {dimension_numbers = #tpu.dot_dimension_numbers<[1], [1], [0], [0], [0, 0, 1, 0], [], []>, transpose_lhs_hint = false} : vector<256x32xf32>, vector<8192x32xf32>, vector<256x8192xf32> -> vector<256x8192xf32>
    %get3A_8 = arith.constant 0 : index
    %get3A_9 = arith.constant 0 : index
    %get3A_10 = vector.load %arg2[%get3A_8, %get3A_9] : memref<256x1xf32, #tpu.memory_space<vmem>>, vector<256x1xf32>
    %get3A_11 = arith.constant 0 : index
    %get3A_12 = arith.constant 0 : index
    %get3A_13 = vector.load %arg3[%get3A_11, %get3A_12] : memref<1x8192xf32, #tpu.memory_space<vmem>>, vector<1x8192xf32>
    %add3A = vector.broadcast %get3A_10 : vector<256x1xf32> to vector<256x8192xf32>
    %add3A_14 = vector.broadcast %get3A_13 : vector<1x8192xf32> to vector<256x8192xf32>
    %add3A_15 = arith.addf %add3A, %add3A_14 : vector<256x8192xf32>
    %add3A_16 = arith.addf %add3A_15, %dot_general3A_7 : vector<256x8192xf32>
    %swap3A = arith.constant 0 : index
    %swap3A_17 = arith.constant 0 : index
    %swap3A_18 = vector.load %arg6[%swap3A, %swap3A_17] : memref<256x8192xf32, #tpu.memory_space<vmem>>, vector<256x8192xf32>
    tpu.vector_store %arg6[%swap3A, %swap3A_17], %add3A_16 {strides = array<i32>} : memref<256x8192xf32, #tpu.memory_space<vmem>>, vector<256x8192xf32>,
    %slice3A = vector.extract_strided_slice %add3A_16 {offsets = [0, 0], sizes = [256, 128], strides = [1, 1]} : vector<256x8192xf32> to vector<256x128xf32>
    %slice3A_19 = vector.extract_strided_slice %add3A_16 {offsets = [0, 128], sizes = [256, 128], strides = [1, 1]} : vector<256x8192xf32> to vector<256x128xf32>
    %slice3A_20 = vector.extract_strided_slice %add3A_16 {offsets = [0, 256], sizes = [256, 128], strides = [1, 1]} : vector<256x8192xf32> to vector<256x128xf32>
    %slice3A_21 = vector.extract_strided_slice %add3A_16 {offsets = [0, 384], sizes = [256, 128], strides = [1, 1]} : vector<256x8192xf32> to vector<256x128xf32>
    %slice3A_22 = vector.extract_strided_slice %add3A_16 {offsets = [0, 512], sizes = [256, 128], strides = [1, 1]} : vector<256x8192xf32> to vector<256x128xf32>
    %slice3A_23 = vector.extract_strided_slice %add3A_16 {offsets = [0, 640], sizes = [256, 128], strides = [1, 1]} : vector<256x8192xf32> to vector<256x128xf32>
    %slice3A_24 = vector.extract_strided_slice %add3A_16 {offsets = [0, 768], sizes = [256, 128], strides = [1, 1]} : vector<256x8192xf32> to vector<256x128xf32>
    %slice3A_25 = vector.extract_strided_slice %add3A_16 {offsets = [0, 896], sizes = [256, 128], strides = [1, 1]} : vector<256x8192xf32> to vector<256x128xf32>
    %slice3A_26 = vector.extract_strided_slice %add3A_16 {offsets = [0, 1024], sizes = [256, 128], strides = [1, 1]} : vector<256x8192xf32> to vector<256x128xf32>
    %slice3A_27 = vector.extract_strided_slice %add3A_16 {offsets = [0, 1152], sizes = [256, 128], strides = [1, 1]} : vector<256x8192xf32> to vector<256x128xf32>
    %slice3A_28 = vector.extract_strided_slice %add3A_16 {offsets = [0, 1280], sizes = [256, 128], strides = [1, 1]} : vector<256x8192xf32> to vector<256x128xf32>
    %slice3A_29 = vector.extract_strided_slice %add3A_16 {offsets = [0, 1408], sizes = [256, 128], strides = [1, 1]} : vector<256x8192xf32> to vector<256x128xf32>
    %slice3A_30 = vector.extract_strided_slice %add3A_16 {offsets = [0, 1536], sizes = [256, 128], strides = [1, 1]} : vector<256x8192xf32> to vector<256x128xf32>
    %slice3A_31 = vector.extract_strided_slice %add3A_16 {offsets = [0, 1664], sizes = [256, 128], strides = [1, 1]} : vector<256x8192xf32> to vector<256x128xf32>
    %slice3A_32 = vector.extract_strided_slice %add3A_16 {offsets = [0, 1792], sizes = [256, 128], strides = [1, 1]} : vector<256x8192xf32> to vector<256x128xf32>
    %slice3A_33 = vector.extract_strided_slice %add3A_16 {offsets = [0, 1920], sizes = [256, 128], strides = [1, 1]} : vector<256x8192xf32> to vector<256x128xf32>
    %slice3A_34 = vector.extract_strided_slice %add3A_16 {offsets = [0, 2048], sizes = [256, 128], strides = [1, 1]} : vector<256x8192xf32> to vector<256x128xf32>
    %slice3A_35 = vector.extract_strided_slice %add3A_16 {offsets = [0, 2176], sizes = [256, 128], strides = [1, 1]} : vector<256x8192xf32> to vector<256x128xf32>
    %slice3A_36 = vector.extract_strided_slice %add3A_16 {offsets = [0, 2304], sizes = [256, 128], strides = [1, 1]} : vector<256x8192xf32> to vector<256x128xf32>
    %slice3A_37 = vector.extract_strided_slice %add3A_16 {offsets = [0, 2432], sizes = [256, 128], strides = [1, 1]} : vector<256x8192xf32> to vector<256x128xf32>
    %slice3A_38 = vector.extract_strided_slice %add3A_16 {offsets = [0, 2560], sizes = [256, 128], strides = [1, 1]} : vector<256x8192xf32> to vector<256x128xf32>
    %slice3A_39 = vector.extract_strided_slice %add3A_16 {offsets = [0, 2688], sizes = [256, 128], strides = [1, 1]} : vector<256x8192xf32> to vector<256x128xf32>
    %slice3A_40 = vector.extract_strided_slice %add3A_16 {offsets = [0, 2816], sizes = [256, 128], strides = [1, 1]} : vector<256x8192xf32> to vector<256x128xf32>
    %slice3A_41 = vector.extract_strided_slice %add3A_16 {offsets = [0, 2944], sizes = [256, 128], strides = [1, 1]} : vector<256x8192xf32> to vector<256x128xf32>
    %slice3A_42 = vector.extract_strided_slice %add3A_16 {offsets = [0, 3072], sizes = [256, 128], strides = [1, 1]} : vector<256x8192xf32> to vector<256x128xf32>
    %slice3A_43 = vector.extract_strided_slice %add3A_16 {offsets = [0, 3200], sizes = [256, 128], strides = [1, 1]} : vector<256x8192xf32> to vector<256x128xf32>
    %slice3A_44 = vector.extract_strided_slice %add3A_16 {offsets = [0, 3328], sizes = [256, 128], strides = [1, 1]} : vector<256x8192xf32> to vector<256x128xf32>
    %slice3A_45 = vector.extract_strided_slice %add3A_16 {offsets = [0, 3456], sizes = [256, 128], strides = [1, 1]} : vector<256x8192xf32> to vector<256x128xf32>
    %slice3A_46 = vector.extract_strided_slice %add3A_16 {offsets = [0, 3584], sizes = [256, 128], strides = [1, 1]} : vector<256x8192xf32> to vector<256x128xf32>
    %slice3A_47 = vector.extract_strided_slice %add3A_16 {offsets = [0, 3712], sizes = [256, 128], strides = [1, 1]} : vector<256x8192xf32> to vector<256x128xf32>
    %slice3A_48 = vector.extract_strided_slice %add3A_16 {offsets = [0, 3840], sizes = [256, 128], strides = [1, 1]} : vector<256x8192xf32> to vector<256x128xf32>
    %slice3A_49 = vector.extract_strided_slice %add3A_16 {offsets = [0, 3968], sizes = [256, 128], strides = [1, 1]} : vector<256x8192xf32> to vector<256x128xf32>
    %slice3A_50 = vector.extract_strided_slice %add3A_16 {offsets = [0, 4096], sizes = [256, 128], strides = [1, 1]} : vector<256x8192xf32> to vector<256x128xf32>
    %slice3A_51 = vector.extract_strided_slice %add3A_16 {offsets = [0, 4224], sizes = [256, 128], strides = [1, 1]} : vector<256x8192xf32> to vector<256x128xf32>
    %slice3A_52 = vector.extract_strided_slice %add3A_16 {offsets = [0, 4352], sizes = [256, 128], strides = [1, 1]} : vector<256x8192xf32> to vector<256x128xf32>
    %slice3A_53 = vector.extract_strided_slice %add3A_16 {offsets = [0, 4480], sizes = [256, 128], strides = [1, 1]} : vector<256x8192xf32> to vector<256x128xf32>
    %slice3A_54 = vector.extract_strided_slice %add3A_16 {offsets = [0, 4608], sizes = [256, 128], strides = [1, 1]} : vector<256x8192xf32> to vector<256x128xf32>
    %slice3A_55 = vector.extract_strided_slice %add3A_16 {offsets = [0, 4736], sizes = [256, 128], strides = [1, 1]} : vector<256x8192xf32> to vector<256x128xf32>
    %slice3A_56 = vector.extract_strided_slice %add3A_16 {offsets = [0, 4864], sizes = [256, 128], strides = [1, 1]} : vector<256x8192xf32> to vector<256x128xf32>
    %slice3A_57 = vector.extract_strided_slice %add3A_16 {offsets = [0, 4992], sizes = [256, 128], strides = [1, 1]} : vector<256x8192xf32> to vector<256x128xf32>
    %slice3A_58 = vector.extract_strided_slice %add3A_16 {offsets = [0, 5120], sizes = [256, 128], strides = [1, 1]} : vector<256x8192xf32> to vector<256x128xf32>
    %slice3A_59 = vector.extract_strided_slice %add3A_16 {offsets = [0, 5248], sizes = [256, 128], strides = [1, 1]} : vector<256x8192xf32> to vector<256x128xf32>
    %slice3A_60 = vector.extract_strided_slice %add3A_16 {offsets = [0, 5376], sizes = [256, 128], strides = [1, 1]} : vector<256x8192xf32> to vector<256x128xf32>
    %slice3A_61 = vector.extract_strided_slice %add3A_16 {offsets = [0, 5504], sizes = [256, 128], strides = [1, 1]} : vector<256x8192xf32> to vector<256x128xf32>
    %slice3A_62 = vector.extract_strided_slice %add3A_16 {offsets = [0, 5632], sizes = [256, 128], strides = [1, 1]} : vector<256x8192xf32> to vector<256x128xf32>
    %slice3A_63 = vector.extract_strided_slice %add3A_16 {offsets = [0, 5760], sizes = [256, 128], strides = [1, 1]} : vector<256x8192xf32> to vector<256x128xf32>
    %slice3A_64 = vector.extract_strided_slice %add3A_16 {offsets = [0, 5888], sizes = [256, 128], strides = [1, 1]} : vector<256x8192xf32> to vector<256x128xf32>
    %slice3A_65 = vector.extract_strided_slice %add3A_16 {offsets = [0, 6016], sizes = [256, 128], strides = [1, 1]} : vector<256x8192xf32> to vector<256x128xf32>
    %slice3A_66 = vector.extract_strided_slice %add3A_16 {offsets = [0, 6144], sizes = [256, 128], strides = [1, 1]} : vector<256x8192xf32> to vector<256x128xf32>
    %slice3A_67 = vector.extract_strided_slice %add3A_16 {offsets = [0, 6272], sizes = [256, 128], strides = [1, 1]} : vector<256x8192xf32> to vector<256x128xf32>
    %slice3A_68 = vector.extract_strided_slice %add3A_16 {offsets = [0, 6400], sizes = [256, 128], strides = [1, 1]} : vector<256x8192xf32> to vector<256x128xf32>
    %slice3A_69 = vector.extract_strided_slice %add3A_16 {offsets = [0, 6528], sizes = [256, 128], strides = [1, 1]} : vector<256x8192xf32> to vector<256x128xf32>
    %slice3A_70 = vector.extract_strided_slice %add3A_16 {offsets = [0, 6656], sizes = [256, 128], strides = [1, 1]} : vector<256x8192xf32> to vector<256x128xf32>
    %slice3A_71 = vector.extract_strided_slice %add3A_16 {offsets = [0, 6784], sizes = [256, 128], strides = [1, 1]} : vector<256x8192xf32> to vector<256x128xf32>
    %slice3A_72 = vector.extract_strided_slice %add3A_16 {offsets = [0, 6912], sizes = [256, 128], strides = [1, 1]} : vector<256x8192xf32> to vector<256x128xf32>
    %slice3A_73 = vector.extract_strided_slice %add3A_16 {offsets = [0, 7040], sizes = [256, 128], strides = [1, 1]} : vector<256x8192xf32> to vector<256x128xf32>
    %slice3A_74 = vector.extract_strided_slice %add3A_16 {offsets = [0, 7168], sizes = [256, 128], strides = [1, 1]} : vector<256x8192xf32> to vector<256x128xf32>
    %slice3A_75 = vector.extract_strided_slice %add3A_16 {offsets = [0, 7296], sizes = [256, 128], strides = [1, 1]} : vector<256x8192xf32> to vector<256x128xf32>
    %slice3A_76 = vector.extract_strided_slice %add3A_16 {offsets = [0, 7424], sizes = [256, 128], strides = [1, 1]} : vector<256x8192xf32> to vector<256x128xf32>
    %slice3A_77 = vector.extract_strided_slice %add3A_16 {offsets = [0, 7552], sizes = [256, 128], strides = [1, 1]} : vector<256x8192xf32> to vector<256x128xf32>
    %slice3A_78 = vector.extract_strided_slice %add3A_16 {offsets = [0, 7680], sizes = [256, 128], strides = [1, 1]} : vector<256x8192xf32> to vector<256x128xf32>
    %slice3A_79 = vector.extract_strided_slice %add3A_16 {offsets = [0, 7808], sizes = [256, 128], strides = [1, 1]} : vector<256x8192xf32> to vector<256x128xf32>
    %slice3A_80 = vector.extract_strided_slice %add3A_16 {offsets = [0, 7936], sizes = [256, 128], strides = [1, 1]} : vector<256x8192xf32> to vector<256x128xf32>
    %slice3A_81 = vector.extract_strided_slice %add3A_16 {offsets = [0, 8064], sizes = [256, 128], strides = [1, 1]} : vector<256x8192xf32> to vector<256x128xf32>
    %mul3A_82 = arith.constant 64 : i32
    %mul3A_83 = arith.muli %arg1, %mul3A_82 : i32
    %broadcast_in_dim3A = vector.broadcast %mul3A_83 : i32 to vector<256x128xi32>
    %lt3A = arith.cmpf olt, %slice3A_19, %slice3A : vector<256x128xf32>
    %min3A = arith.minimumf %slice3A, %slice3A_19 : vector<256x128xf32>
    %mul3A_84 = arith.constant 64 : i32
    %mul3A_85 = arith.muli %arg1, %mul3A_84 : i32
    %add3A_86 = arith.constant 1 : i32
    %add3A_87 = arith.addi %mul3A_85, %add3A_86 : i32
    %broadcast_in_dim3A_88 = vector.broadcast %add3A_87 : i32 to vector<256x128xi32>
    %select_n3A = arith.select %lt3A, %broadcast_in_dim3A_88, %broadcast_in_dim3A : vector<256x128xi1>, vector<256x128xi32>
    %lt3A_89 = arith.cmpf olt, %slice3A_20, %min3A : vector<256x128xf32>
    %min3A_90 = arith.minimumf %min3A, %slice3A_20 : vector<256x128xf32>
    %mul3A_91 = arith.constant 64 : i32
    %mul3A_92 = arith.muli %arg1, %mul3A_91 : i32
    %add3A_93 = arith.constant 2 : i32
    %add3A_94 = arith.addi %mul3A_92, %add3A_93 : i32
    %broadcast_in_dim3A_95 = vector.broadcast %add3A_94 : i32 to vector<256x128xi32>
    %select_n3A_96 = arith.select %lt3A_89, %broadcast_in_dim3A_95, %select_n3A : vector<256x128xi1>, vector<256x128xi32>
    %lt3A_97 = arith.cmpf olt, %slice3A_21, %min3A_90 : vector<256x128xf32>
    %min3A_98 = arith.minimumf %min3A_90, %slice3A_21 : vector<256x128xf32>
    %mul3A_99 = arith.constant 64 : i32
    %mul3A_100 = arith.muli %arg1, %mul3A_99 : i32
    %add3A_101 = arith.constant 3 : i32
    %add3A_102 = arith.addi %mul3A_100, %add3A_101 : i32
    %broadcast_in_dim3A_103 = vector.broadcast %add3A_102 : i32 to vector<256x128xi32>
    %select_n3A_104 = arith.select %lt3A_97, %broadcast_in_dim3A_103, %select_n3A_96 : vector<256x128xi1>, vector<256x128xi32>
    %lt3A_105 = arith.cmpf olt, %slice3A_22, %min3A_98 : vector<256x128xf32>
    %min3A_106 = arith.minimumf %min3A_98, %slice3A_22 : vector<256x128xf32>
    %mul3A_107 = arith.constant 64 : i32
    %mul3A_108 = arith.muli %arg1, %mul3A_107 : i32
    %add3A_109 = arith.constant 4 : i32
    %add3A_110 = arith.addi %mul3A_108, %add3A_109 : i32
    %broadcast_in_dim3A_111 = vector.broadcast %add3A_110 : i32 to vector<256x128xi32>
    %select_n3A_112 = arith.select %lt3A_105, %broadcast_in_dim3A_111, %select_n3A_104 : vector<256x128xi1>, vector<256x128xi32>
    %lt3A_113 = arith.cmpf olt, %slice3A_23, %min3A_106 : vector<256x128xf32>
    %min3A_114 = arith.minimumf %min3A_106, %slice3A_23 : vector<256x128xf32>
    %mul3A_115 = arith.constant 64 : i32
    %mul3A_116 = arith.muli %arg1, %mul3A_115 : i32
    %add3A_117 = arith.constant 5 : i32
    %add3A_118 = arith.addi %mul3A_116, %add3A_117 : i32
    %broadcast_in_dim3A_119 = vector.broadcast %add3A_118 : i32 to vector<256x128xi32>
    %select_n3A_120 = arith.select %lt3A_113, %broadcast_in_dim3A_119, %select_n3A_112 : vector<256x128xi1>, vector<256x128xi32>
    %lt3A_121 = arith.cmpf olt, %slice3A_24, %min3A_114 : vector<256x128xf32>
    %min3A_122 = arith.minimumf %min3A_114, %slice3A_24 : vector<256x128xf32>
    %mul3A_123 = arith.constant 64 : i32
    %mul3A_124 = arith.muli %arg1, %mul3A_123 : i32
    %add3A_125 = arith.constant 6 : i32
    %add3A_126 = arith.addi %mul3A_124, %add3A_125 : i32
    %broadcast_in_dim3A_127 = vector.broadcast %add3A_126 : i32 to vector<256x128xi32>
    %select_n3A_128 = arith.select %lt3A_121, %broadcast_in_dim3A_127, %select_n3A_120 : vector<256x128xi1>, vector<256x128xi32>
    %lt3A_129 = arith.cmpf olt, %slice3A_25, %min3A_122 : vector<256x128xf32>
    %min3A_130 = arith.minimumf %min3A_122, %slice3A_25 : vector<256x128xf32>
    %mul3A_131 = arith.constant 64 : i32
    %mul3A_132 = arith.muli %arg1, %mul3A_131 : i32
    %add3A_133 = arith.constant 7 : i32
    %add3A_134 = arith.addi %mul3A_132, %add3A_133 : i32
    %broadcast_in_dim3A_135 = vector.broadcast %add3A_134 : i32 to vector<256x128xi32>
    %select_n3A_136 = arith.select %lt3A_129, %broadcast_in_dim3A_135, %select_n3A_128 : vector<256x128xi1>, vector<256x128xi32>
    %lt3A_137 = arith.cmpf olt, %slice3A_26, %min3A_130 : vector<256x128xf32>
    %min3A_138 = arith.minimumf %min3A_130, %slice3A_26 : vector<256x128xf32>
    %mul3A_139 = arith.constant 64 : i32
    %mul3A_140 = arith.muli %arg1, %mul3A_139 : i32
    %add3A_141 = arith.constant 8 : i32
    %add3A_142 = arith.addi %mul3A_140, %add3A_141 : i32
    %broadcast_in_dim3A_143 = vector.broadcast %add3A_142 : i32 to vector<256x128xi32>
    %select_n3A_144 = arith.select %lt3A_137, %broadcast_in_dim3A_143, %select_n3A_136 : vector<256x128xi1>, vector<256x128xi32>
    %lt3A_145 = arith.cmpf olt, %slice3A_27, %min3A_138 : vector<256x128xf32>
    %min3A_146 = arith.minimumf %min3A_138, %slice3A_27 : vector<256x128xf32>
    %mul3A_147 = arith.constant 64 : i32
    %mul3A_148 = arith.muli %arg1, %mul3A_147 : i32
    %add3A_149 = arith.constant 9 : i32
    %add3A_150 = arith.addi %mul3A_148, %add3A_149 : i32
    %broadcast_in_dim3A_151 = vector.broadcast %add3A_150 : i32 to vector<256x128xi32>
    %select_n3A_152 = arith.select %lt3A_145, %broadcast_in_dim3A_151, %select_n3A_144 : vector<256x128xi1>, vector<256x128xi32>
    %lt3A_153 = arith.cmpf olt, %slice3A_28, %min3A_146 : vector<256x128xf32>
    %min3A_154 = arith.minimumf %min3A_146, %slice3A_28 : vector<256x128xf32>
    %mul3A_155 = arith.constant 64 : i32
    %mul3A_156 = arith.muli %arg1, %mul3A_155 : i32
    %add3A_157 = arith.constant 10 : i32
    %add3A_158 = arith.addi %mul3A_156, %add3A_157 : i32
    %broadcast_in_dim3A_159 = vector.broadcast %add3A_158 : i32 to vector<256x128xi32>
    %select_n3A_160 = arith.select %lt3A_153, %broadcast_in_dim3A_159, %select_n3A_152 : vector<256x128xi1>, vector<256x128xi32>
    %lt3A_161 = arith.cmpf olt, %slice3A_29, %min3A_154 : vector<256x128xf32>
    %min3A_162 = arith.minimumf %min3A_154, %slice3A_29 : vector<256x128xf32>
    %mul3A_163 = arith.constant 64 : i32
    %mul3A_164 = arith.muli %arg1, %mul3A_163 : i32
    %add3A_165 = arith.constant 11 : i32
    %add3A_166 = arith.addi %mul3A_164, %add3A_165 : i32
    %broadcast_in_dim3A_167 = vector.broadcast %add3A_166 : i32 to vector<256x128xi32>
    %select_n3A_168 = arith.select %lt3A_161, %broadcast_in_dim3A_167, %select_n3A_160 : vector<256x128xi1>, vector<256x128xi32>
    %lt3A_169 = arith.cmpf olt, %slice3A_30, %min3A_162 : vector<256x128xf32>
    %min3A_170 = arith.minimumf %min3A_162, %slice3A_30 : vector<256x128xf32>
    %mul3A_171 = arith.constant 64 : i32
    %mul3A_172 = arith.muli %arg1, %mul3A_171 : i32
    %add3A_173 = arith.constant 12 : i32
    %add3A_174 = arith.addi %mul3A_172, %add3A_173 : i32
    %broadcast_in_dim3A_175 = vector.broadcast %add3A_174 : i32 to vector<256x128xi32>
    %select_n3A_176 = arith.select %lt3A_169, %broadcast_in_dim3A_175, %select_n3A_168 : vector<256x128xi1>, vector<256x128xi32>
    %lt3A_177 = arith.cmpf olt, %slice3A_31, %min3A_170 : vector<256x128xf32>
    %min3A_178 = arith.minimumf %min3A_170, %slice3A_31 : vector<256x128xf32>
    %mul3A_179 = arith.constant 64 : i32
    %mul3A_180 = arith.muli %arg1, %mul3A_179 : i32
    %add3A_181 = arith.constant 13 : i32
    %add3A_182 = arith.addi %mul3A_180, %add3A_181 : i32
    %broadcast_in_dim3A_183 = vector.broadcast %add3A_182 : i32 to vector<256x128xi32>
    %select_n3A_184 = arith.select %lt3A_177, %broadcast_in_dim3A_183, %select_n3A_176 : vector<256x128xi1>, vector<256x128xi32>
    %lt3A_185 = arith.cmpf olt, %slice3A_32, %min3A_178 : vector<256x128xf32>
    %min3A_186 = arith.minimumf %min3A_178, %slice3A_32 : vector<256x128xf32>
    %mul3A_187 = arith.constant 64 : i32
    %mul3A_188 = arith.muli %arg1, %mul3A_187 : i32
    %add3A_189 = arith.constant 14 : i32
    %add3A_190 = arith.addi %mul3A_188, %add3A_189 : i32
    %broadcast_in_dim3A_191 = vector.broadcast %add3A_190 : i32 to vector<256x128xi32>
    %select_n3A_192 = arith.select %lt3A_185, %broadcast_in_dim3A_191, %select_n3A_184 : vector<256x128xi1>, vector<256x128xi32>
    %lt3A_193 = arith.cmpf olt, %slice3A_33, %min3A_186 : vector<256x128xf32>
    %min3A_194 = arith.minimumf %min3A_186, %slice3A_33 : vector<256x128xf32>
    %mul3A_195 = arith.constant 64 : i32
    %mul3A_196 = arith.muli %arg1, %mul3A_195 : i32
    %add3A_197 = arith.constant 15 : i32
    %add3A_198 = arith.addi %mul3A_196, %add3A_197 : i32
    %broadcast_in_dim3A_199 = vector.broadcast %add3A_198 : i32 to vector<256x128xi32>
    %select_n3A_200 = arith.select %lt3A_193, %broadcast_in_dim3A_199, %select_n3A_192 : vector<256x128xi1>, vector<256x128xi32>
    %lt3A_201 = arith.cmpf olt, %slice3A_34, %min3A_194 : vector<256x128xf32>
    %min3A_202 = arith.minimumf %min3A_194, %slice3A_34 : vector<256x128xf32>
    %mul3A_203 = arith.constant 64 : i32
    %mul3A_204 = arith.muli %arg1, %mul3A_203 : i32
    %add3A_205 = arith.constant 16 : i32
    %add3A_206 = arith.addi %mul3A_204, %add3A_205 : i32
    %broadcast_in_dim3A_207 = vector.broadcast %add3A_206 : i32 to vector<256x128xi32>
    %select_n3A_208 = arith.select %lt3A_201, %broadcast_in_dim3A_207, %select_n3A_200 : vector<256x128xi1>, vector<256x128xi32>
    %lt3A_209 = arith.cmpf olt, %slice3A_35, %min3A_202 : vector<256x128xf32>
    %min3A_210 = arith.minimumf %min3A_202, %slice3A_35 : vector<256x128xf32>
    %mul3A_211 = arith.constant 64 : i32
    %mul3A_212 = arith.muli %arg1, %mul3A_211 : i32
    %add3A_213 = arith.constant 17 : i32
    %add3A_214 = arith.addi %mul3A_212, %add3A_213 : i32
    %broadcast_in_dim3A_215 = vector.broadcast %add3A_214 : i32 to vector<256x128xi32>
    %select_n3A_216 = arith.select %lt3A_209, %broadcast_in_dim3A_215, %select_n3A_208 : vector<256x128xi1>, vector<256x128xi32>
    %lt3A_217 = arith.cmpf olt, %slice3A_36, %min3A_210 : vector<256x128xf32>
    %min3A_218 = arith.minimumf %min3A_210, %slice3A_36 : vector<256x128xf32>
    %mul3A_219 = arith.constant 64 : i32
    %mul3A_220 = arith.muli %arg1, %mul3A_219 : i32
    %add3A_221 = arith.constant 18 : i32
    %add3A_222 = arith.addi %mul3A_220, %add3A_221 : i32
    %broadcast_in_dim3A_223 = vector.broadcast %add3A_222 : i32 to vector<256x128xi32>
    %select_n3A_224 = arith.select %lt3A_217, %broadcast_in_dim3A_223, %select_n3A_216 : vector<256x128xi1>, vector<256x128xi32>
    %lt3A_225 = arith.cmpf olt, %slice3A_37, %min3A_218 : vector<256x128xf32>
    %min3A_226 = arith.minimumf %min3A_218, %slice3A_37 : vector<256x128xf32>
    %mul3A_227 = arith.constant 64 : i32
    %mul3A_228 = arith.muli %arg1, %mul3A_227 : i32
    %add3A_229 = arith.constant 19 : i32
    %add3A_230 = arith.addi %mul3A_228, %add3A_229 : i32
    %broadcast_in_dim3A_231 = vector.broadcast %add3A_230 : i32 to vector<256x128xi32>
    %select_n3A_232 = arith.select %lt3A_225, %broadcast_in_dim3A_231, %select_n3A_224 : vector<256x128xi1>, vector<256x128xi32>
    %lt3A_233 = arith.cmpf olt, %slice3A_38, %min3A_226 : vector<256x128xf32>
    %min3A_234 = arith.minimumf %min3A_226, %slice3A_38 : vector<256x128xf32>
    %mul3A_235 = arith.constant 64 : i32
    %mul3A_236 = arith.muli %arg1, %mul3A_235 : i32
    %add3A_237 = arith.constant 20 : i32
    %add3A_238 = arith.addi %mul3A_236, %add3A_237 : i32
    %broadcast_in_dim3A_239 = vector.broadcast %add3A_238 : i32 to vector<256x128xi32>
    %select_n3A_240 = arith.select %lt3A_233, %broadcast_in_dim3A_239, %select_n3A_232 : vector<256x128xi1>, vector<256x128xi32>
    %lt3A_241 = arith.cmpf olt, %slice3A_39, %min3A_234 : vector<256x128xf32>
    %min3A_242 = arith.minimumf %min3A_234, %slice3A_39 : vector<256x128xf32>
    %mul3A_243 = arith.constant 64 : i32
    %mul3A_244 = arith.muli %arg1, %mul3A_243 : i32
    %add3A_245 = arith.constant 21 : i32
    %add3A_246 = arith.addi %mul3A_244, %add3A_245 : i32
    %broadcast_in_dim3A_247 = vector.broadcast %add3A_246 : i32 to vector<256x128xi32>
    %select_n3A_248 = arith.select %lt3A_241, %broadcast_in_dim3A_247, %select_n3A_240 : vector<256x128xi1>, vector<256x128xi32>
    %lt3A_249 = arith.cmpf olt, %slice3A_40, %min3A_242 : vector<256x128xf32>
    %min3A_250 = arith.minimumf %min3A_242, %slice3A_40 : vector<256x128xf32>
    %mul3A_251 = arith.constant 64 : i32
    %mul3A_252 = arith.muli %arg1, %mul3A_251 : i32
    %add3A_253 = arith.constant 22 : i32
    %add3A_254 = arith.addi %mul3A_252, %add3A_253 : i32
    %broadcast_in_dim3A_255 = vector.broadcast %add3A_254 : i32 to vector<256x128xi32>
    %select_n3A_256 = arith.select %lt3A_249, %broadcast_in_dim3A_255, %select_n3A_248 : vector<256x128xi1>, vector<256x128xi32>
    %lt3A_257 = arith.cmpf olt, %slice3A_41, %min3A_250 : vector<256x128xf32>
    %min3A_258 = arith.minimumf %min3A_250, %slice3A_41 : vector<256x128xf32>
    %mul3A_259 = arith.constant 64 : i32
    %mul3A_260 = arith.muli %arg1, %mul3A_259 : i32
    %add3A_261 = arith.constant 23 : i32
    %add3A_262 = arith.addi %mul3A_260, %add3A_261 : i32
    %broadcast_in_dim3A_263 = vector.broadcast %add3A_262 : i32 to vector<256x128xi32>
    %select_n3A_264 = arith.select %lt3A_257, %broadcast_in_dim3A_263, %select_n3A_256 : vector<256x128xi1>, vector<256x128xi32>
    %lt3A_265 = arith.cmpf olt, %slice3A_42, %min3A_258 : vector<256x128xf32>
    %min3A_266 = arith.minimumf %min3A_258, %slice3A_42 : vector<256x128xf32>
    %mul3A_267 = arith.constant 64 : i32
    %mul3A_268 = arith.muli %arg1, %mul3A_267 : i32
    %add3A_269 = arith.constant 24 : i32
    %add3A_270 = arith.addi %mul3A_268, %add3A_269 : i32
    %broadcast_in_dim3A_271 = vector.broadcast %add3A_270 : i32 to vector<256x128xi32>
    %select_n3A_272 = arith.select %lt3A_265, %broadcast_in_dim3A_271, %select_n3A_264 : vector<256x128xi1>, vector<256x128xi32>
    %lt3A_273 = arith.cmpf olt, %slice3A_43, %min3A_266 : vector<256x128xf32>
    %min3A_274 = arith.minimumf %min3A_266, %slice3A_43 : vector<256x128xf32>
    %mul3A_275 = arith.constant 64 : i32
    %mul3A_276 = arith.muli %arg1, %mul3A_275 : i32
    %add3A_277 = arith.constant 25 : i32
    %add3A_278 = arith.addi %mul3A_276, %add3A_277 : i32
    %broadcast_in_dim3A_279 = vector.broadcast %add3A_278 : i32 to vector<256x128xi32>
    %select_n3A_280 = arith.select %lt3A_273, %broadcast_in_dim3A_279, %select_n3A_272 : vector<256x128xi1>, vector<256x128xi32>
    %lt3A_281 = arith.cmpf olt, %slice3A_44, %min3A_274 : vector<256x128xf32>
    %min3A_282 = arith.minimumf %min3A_274, %slice3A_44 : vector<256x128xf32>
    %mul3A_283 = arith.constant 64 : i32
    %mul3A_284 = arith.muli %arg1, %mul3A_283 : i32
    %add3A_285 = arith.constant 26 : i32
    %add3A_286 = arith.addi %mul3A_284, %add3A_285 : i32
    %broadcast_in_dim3A_287 = vector.broadcast %add3A_286 : i32 to vector<256x128xi32>
    %select_n3A_288 = arith.select %lt3A_281, %broadcast_in_dim3A_287, %select_n3A_280 : vector<256x128xi1>, vector<256x128xi32>
    %lt3A_289 = arith.cmpf olt, %slice3A_45, %min3A_282 : vector<256x128xf32>
    %min3A_290 = arith.minimumf %min3A_282, %slice3A_45 : vector<256x128xf32>
    %mul3A_291 = arith.constant 64 : i32
    %mul3A_292 = arith.muli %arg1, %mul3A_291 : i32
    %add3A_293 = arith.constant 27 : i32
    %add3A_294 = arith.addi %mul3A_292, %add3A_293 : i32
    %broadcast_in_dim3A_295 = vector.broadcast %add3A_294 : i32 to vector<256x128xi32>
    %select_n3A_296 = arith.select %lt3A_289, %broadcast_in_dim3A_295, %select_n3A_288 : vector<256x128xi1>, vector<256x128xi32>
    %lt3A_297 = arith.cmpf olt, %slice3A_46, %min3A_290 : vector<256x128xf32>
    %min3A_298 = arith.minimumf %min3A_290, %slice3A_46 : vector<256x128xf32>
    %mul3A_299 = arith.constant 64 : i32
    %mul3A_300 = arith.muli %arg1, %mul3A_299 : i32
    %add3A_301 = arith.constant 28 : i32
    %add3A_302 = arith.addi %mul3A_300, %add3A_301 : i32
    %broadcast_in_dim3A_303 = vector.broadcast %add3A_302 : i32 to vector<256x128xi32>
    %select_n3A_304 = arith.select %lt3A_297, %broadcast_in_dim3A_303, %select_n3A_296 : vector<256x128xi1>, vector<256x128xi32>
    %lt3A_305 = arith.cmpf olt, %slice3A_47, %min3A_298 : vector<256x128xf32>
    %min3A_306 = arith.minimumf %min3A_298, %slice3A_47 : vector<256x128xf32>
    %mul3A_307 = arith.constant 64 : i32
    %mul3A_308 = arith.muli %arg1, %mul3A_307 : i32
    %add3A_309 = arith.constant 29 : i32
    %add3A_310 = arith.addi %mul3A_308, %add3A_309 : i32
    %broadcast_in_dim3A_311 = vector.broadcast %add3A_310 : i32 to vector<256x128xi32>
    %select_n3A_312 = arith.select %lt3A_305, %broadcast_in_dim3A_311, %select_n3A_304 : vector<256x128xi1>, vector<256x128xi32>
    %lt3A_313 = arith.cmpf olt, %slice3A_48, %min3A_306 : vector<256x128xf32>
    %min3A_314 = arith.minimumf %min3A_306, %slice3A_48 : vector<256x128xf32>
    %mul3A_315 = arith.constant 64 : i32
    %mul3A_316 = arith.muli %arg1, %mul3A_315 : i32
    %add3A_317 = arith.constant 30 : i32
    %add3A_318 = arith.addi %mul3A_316, %add3A_317 : i32
    %broadcast_in_dim3A_319 = vector.broadcast %add3A_318 : i32 to vector<256x128xi32>
    %select_n3A_320 = arith.select %lt3A_313, %broadcast_in_dim3A_319, %select_n3A_312 : vector<256x128xi1>, vector<256x128xi32>
    %lt3A_321 = arith.cmpf olt, %slice3A_49, %min3A_314 : vector<256x128xf32>
    %min3A_322 = arith.minimumf %min3A_314, %slice3A_49 : vector<256x128xf32>
    %mul3A_323 = arith.constant 64 : i32
    %mul3A_324 = arith.muli %arg1, %mul3A_323 : i32
    %add3A_325 = arith.constant 31 : i32
    %add3A_326 = arith.addi %mul3A_324, %add3A_325 : i32
    %broadcast_in_dim3A_327 = vector.broadcast %add3A_326 : i32 to vector<256x128xi32>
    %select_n3A_328 = arith.select %lt3A_321, %broadcast_in_dim3A_327, %select_n3A_320 : vector<256x128xi1>, vector<256x128xi32>
    %lt3A_329 = arith.cmpf olt, %slice3A_50, %min3A_322 : vector<256x128xf32>
    %min3A_330 = arith.minimumf %min3A_322, %slice3A_50 : vector<256x128xf32>
    %mul3A_331 = arith.constant 64 : i32
    %mul3A_332 = arith.muli %arg1, %mul3A_331 : i32
    %add3A_333 = arith.constant 32 : i32
    %add3A_334 = arith.addi %mul3A_332, %add3A_333 : i32
    %broadcast_in_dim3A_335 = vector.broadcast %add3A_334 : i32 to vector<256x128xi32>
    %select_n3A_336 = arith.select %lt3A_329, %broadcast_in_dim3A_335, %select_n3A_328 : vector<256x128xi1>, vector<256x128xi32>
    %lt3A_337 = arith.cmpf olt, %slice3A_51, %min3A_330 : vector<256x128xf32>
    %min3A_338 = arith.minimumf %min3A_330, %slice3A_51 : vector<256x128xf32>
    %mul3A_339 = arith.constant 64 : i32
    %mul3A_340 = arith.muli %arg1, %mul3A_339 : i32
    %add3A_341 = arith.constant 33 : i32
    %add3A_342 = arith.addi %mul3A_340, %add3A_341 : i32
    %broadcast_in_dim3A_343 = vector.broadcast %add3A_342 : i32 to vector<256x128xi32>
    %select_n3A_344 = arith.select %lt3A_337, %broadcast_in_dim3A_343, %select_n3A_336 : vector<256x128xi1>, vector<256x128xi32>
    %lt3A_345 = arith.cmpf olt, %slice3A_52, %min3A_338 : vector<256x128xf32>
    %min3A_346 = arith.minimumf %min3A_338, %slice3A_52 : vector<256x128xf32>
    %mul3A_347 = arith.constant 64 : i32
    %mul3A_348 = arith.muli %arg1, %mul3A_347 : i32
    %add3A_349 = arith.constant 34 : i32
    %add3A_350 = arith.addi %mul3A_348, %add3A_349 : i32
    %broadcast_in_dim3A_351 = vector.broadcast %add3A_350 : i32 to vector<256x128xi32>
    %select_n3A_352 = arith.select %lt3A_345, %broadcast_in_dim3A_351, %select_n3A_344 : vector<256x128xi1>, vector<256x128xi32>
    %lt3A_353 = arith.cmpf olt, %slice3A_53, %min3A_346 : vector<256x128xf32>
    %min3A_354 = arith.minimumf %min3A_346, %slice3A_53 : vector<256x128xf32>
    %mul3A_355 = arith.constant 64 : i32
    %mul3A_356 = arith.muli %arg1, %mul3A_355 : i32
    %add3A_357 = arith.constant 35 : i32
    %add3A_358 = arith.addi %mul3A_356, %add3A_357 : i32
    %broadcast_in_dim3A_359 = vector.broadcast %add3A_358 : i32 to vector<256x128xi32>
    %select_n3A_360 = arith.select %lt3A_353, %broadcast_in_dim3A_359, %select_n3A_352 : vector<256x128xi1>, vector<256x128xi32>
    %lt3A_361 = arith.cmpf olt, %slice3A_54, %min3A_354 : vector<256x128xf32>
    %min3A_362 = arith.minimumf %min3A_354, %slice3A_54 : vector<256x128xf32>
    %mul3A_363 = arith.constant 64 : i32
    %mul3A_364 = arith.muli %arg1, %mul3A_363 : i32
    %add3A_365 = arith.constant 36 : i32
    %add3A_366 = arith.addi %mul3A_364, %add3A_365 : i32
    %broadcast_in_dim3A_367 = vector.broadcast %add3A_366 : i32 to vector<256x128xi32>
    %select_n3A_368 = arith.select %lt3A_361, %broadcast_in_dim3A_367, %select_n3A_360 : vector<256x128xi1>, vector<256x128xi32>
    %lt3A_369 = arith.cmpf olt, %slice3A_55, %min3A_362 : vector<256x128xf32>
    %min3A_370 = arith.minimumf %min3A_362, %slice3A_55 : vector<256x128xf32>
    %mul3A_371 = arith.constant 64 : i32
    %mul3A_372 = arith.muli %arg1, %mul3A_371 : i32
    %add3A_373 = arith.constant 37 : i32
    %add3A_374 = arith.addi %mul3A_372, %add3A_373 : i32
    %broadcast_in_dim3A_375 = vector.broadcast %add3A_374 : i32 to vector<256x128xi32>
    %select_n3A_376 = arith.select %lt3A_369, %broadcast_in_dim3A_375, %select_n3A_368 : vector<256x128xi1>, vector<256x128xi32>
    %lt3A_377 = arith.cmpf olt, %slice3A_56, %min3A_370 : vector<256x128xf32>
    %min3A_378 = arith.minimumf %min3A_370, %slice3A_56 : vector<256x128xf32>
    %mul3A_379 = arith.constant 64 : i32
    %mul3A_380 = arith.muli %arg1, %mul3A_379 : i32
    %add3A_381 = arith.constant 38 : i32
    %add3A_382 = arith.addi %mul3A_380, %add3A_381 : i32
    %broadcast_in_dim3A_383 = vector.broadcast %add3A_382 : i32 to vector<256x128xi32>
    %select_n3A_384 = arith.select %lt3A_377, %broadcast_in_dim3A_383, %select_n3A_376 : vector<256x128xi1>, vector<256x128xi32>
    %lt3A_385 = arith.cmpf olt, %slice3A_57, %min3A_378 : vector<256x128xf32>
    %min3A_386 = arith.minimumf %min3A_378, %slice3A_57 : vector<256x128xf32>
    %mul3A_387 = arith.constant 64 : i32
    %mul3A_388 = arith.muli %arg1, %mul3A_387 : i32
    %add3A_389 = arith.constant 39 : i32
    %add3A_390 = arith.addi %mul3A_388, %add3A_389 : i32
    %broadcast_in_dim3A_391 = vector.broadcast %add3A_390 : i32 to vector<256x128xi32>
    %select_n3A_392 = arith.select %lt3A_385, %broadcast_in_dim3A_391, %select_n3A_384 : vector<256x128xi1>, vector<256x128xi32>
    %lt3A_393 = arith.cmpf olt, %slice3A_58, %min3A_386 : vector<256x128xf32>
    %min3A_394 = arith.minimumf %min3A_386, %slice3A_58 : vector<256x128xf32>
    %mul3A_395 = arith.constant 64 : i32
    %mul3A_396 = arith.muli %arg1, %mul3A_395 : i32
    %add3A_397 = arith.constant 40 : i32
    %add3A_398 = arith.addi %mul3A_396, %add3A_397 : i32
    %broadcast_in_dim3A_399 = vector.broadcast %add3A_398 : i32 to vector<256x128xi32>
    %select_n3A_400 = arith.select %lt3A_393, %broadcast_in_dim3A_399, %select_n3A_392 : vector<256x128xi1>, vector<256x128xi32>
    %lt3A_401 = arith.cmpf olt, %slice3A_59, %min3A_394 : vector<256x128xf32>
    %min3A_402 = arith.minimumf %min3A_394, %slice3A_59 : vector<256x128xf32>
    %mul3A_403 = arith.constant 64 : i32
    %mul3A_404 = arith.muli %arg1, %mul3A_403 : i32
    %add3A_405 = arith.constant 41 : i32
    %add3A_406 = arith.addi %mul3A_404, %add3A_405 : i32
    %broadcast_in_dim3A_407 = vector.broadcast %add3A_406 : i32 to vector<256x128xi32>
    %select_n3A_408 = arith.select %lt3A_401, %broadcast_in_dim3A_407, %select_n3A_400 : vector<256x128xi1>, vector<256x128xi32>
    %lt3A_409 = arith.cmpf olt, %slice3A_60, %min3A_402 : vector<256x128xf32>
    %min3A_410 = arith.minimumf %min3A_402, %slice3A_60 : vector<256x128xf32>
    %mul3A_411 = arith.constant 64 : i32
    %mul3A_412 = arith.muli %arg1, %mul3A_411 : i32
    %add3A_413 = arith.constant 42 : i32
    %add3A_414 = arith.addi %mul3A_412, %add3A_413 : i32
    %broadcast_in_dim3A_415 = vector.broadcast %add3A_414 : i32 to vector<256x128xi32>
    %select_n3A_416 = arith.select %lt3A_409, %broadcast_in_dim3A_415, %select_n3A_408 : vector<256x128xi1>, vector<256x128xi32>
    %lt3A_417 = arith.cmpf olt, %slice3A_61, %min3A_410 : vector<256x128xf32>
    %min3A_418 = arith.minimumf %min3A_410, %slice3A_61 : vector<256x128xf32>
    %mul3A_419 = arith.constant 64 : i32
    %mul3A_420 = arith.muli %arg1, %mul3A_419 : i32
    %add3A_421 = arith.constant 43 : i32
    %add3A_422 = arith.addi %mul3A_420, %add3A_421 : i32
    %broadcast_in_dim3A_423 = vector.broadcast %add3A_422 : i32 to vector<256x128xi32>
    %select_n3A_424 = arith.select %lt3A_417, %broadcast_in_dim3A_423, %select_n3A_416 : vector<256x128xi1>, vector<256x128xi32>
    %lt3A_425 = arith.cmpf olt, %slice3A_62, %min3A_418 : vector<256x128xf32>
    %min3A_426 = arith.minimumf %min3A_418, %slice3A_62 : vector<256x128xf32>
    %mul3A_427 = arith.constant 64 : i32
    %mul3A_428 = arith.muli %arg1, %mul3A_427 : i32
    %add3A_429 = arith.constant 44 : i32
    %add3A_430 = arith.addi %mul3A_428, %add3A_429 : i32
    %broadcast_in_dim3A_431 = vector.broadcast %add3A_430 : i32 to vector<256x128xi32>
    %select_n3A_432 = arith.select %lt3A_425, %broadcast_in_dim3A_431, %select_n3A_424 : vector<256x128xi1>, vector<256x128xi32>
    %lt3A_433 = arith.cmpf olt, %slice3A_63, %min3A_426 : vector<256x128xf32>
    %min3A_434 = arith.minimumf %min3A_426, %slice3A_63 : vector<256x128xf32>
    %mul3A_435 = arith.constant 64 : i32
    %mul3A_436 = arith.muli %arg1, %mul3A_435 : i32
    %add3A_437 = arith.constant 45 : i32
    %add3A_438 = arith.addi %mul3A_436, %add3A_437 : i32
    %broadcast_in_dim3A_439 = vector.broadcast %add3A_438 : i32 to vector<256x128xi32>
    %select_n3A_440 = arith.select %lt3A_433, %broadcast_in_dim3A_439, %select_n3A_432 : vector<256x128xi1>, vector<256x128xi32>
    %lt3A_441 = arith.cmpf olt, %slice3A_64, %min3A_434 : vector<256x128xf32>
    %min3A_442 = arith.minimumf %min3A_434, %slice3A_64 : vector<256x128xf32>
    %mul3A_443 = arith.constant 64 : i32
    %mul3A_444 = arith.muli %arg1, %mul3A_443 : i32
    %add3A_445 = arith.constant 46 : i32
    %add3A_446 = arith.addi %mul3A_444, %add3A_445 : i32
    %broadcast_in_dim3A_447 = vector.broadcast %add3A_446 : i32 to vector<256x128xi32>
    %select_n3A_448 = arith.select %lt3A_441, %broadcast_in_dim3A_447, %select_n3A_440 : vector<256x128xi1>, vector<256x128xi32>
    %lt3A_449 = arith.cmpf olt, %slice3A_65, %min3A_442 : vector<256x128xf32>
    %min3A_450 = arith.minimumf %min3A_442, %slice3A_65 : vector<256x128xf32>
    %mul3A_451 = arith.constant 64 : i32
    %mul3A_452 = arith.muli %arg1, %mul3A_451 : i32
    %add3A_453 = arith.constant 47 : i32
    %add3A_454 = arith.addi %mul3A_452, %add3A_453 : i32
    %broadcast_in_dim3A_455 = vector.broadcast %add3A_454 : i32 to vector<256x128xi32>
    %select_n3A_456 = arith.select %lt3A_449, %broadcast_in_dim3A_455, %select_n3A_448 : vector<256x128xi1>, vector<256x128xi32>
    %lt3A_457 = arith.cmpf olt, %slice3A_66, %min3A_450 : vector<256x128xf32>
    %min3A_458 = arith.minimumf %min3A_450, %slice3A_66 : vector<256x128xf32>
    %mul3A_459 = arith.constant 64 : i32
    %mul3A_460 = arith.muli %arg1, %mul3A_459 : i32
    %add3A_461 = arith.constant 48 : i32
    %add3A_462 = arith.addi %mul3A_460, %add3A_461 : i32
    %broadcast_in_dim3A_463 = vector.broadcast %add3A_462 : i32 to vector<256x128xi32>
    %select_n3A_464 = arith.select %lt3A_457, %broadcast_in_dim3A_463, %select_n3A_456 : vector<256x128xi1>, vector<256x128xi32>
    %lt3A_465 = arith.cmpf olt, %slice3A_67, %min3A_458 : vector<256x128xf32>
    %min3A_466 = arith.minimumf %min3A_458, %slice3A_67 : vector<256x128xf32>
    %mul3A_467 = arith.constant 64 : i32
    %mul3A_468 = arith.muli %arg1, %mul3A_467 : i32
    %add3A_469 = arith.constant 49 : i32
    %add3A_470 = arith.addi %mul3A_468, %add3A_469 : i32
    %broadcast_in_dim3A_471 = vector.broadcast %add3A_470 : i32 to vector<256x128xi32>
    %select_n3A_472 = arith.select %lt3A_465, %broadcast_in_dim3A_471, %select_n3A_464 : vector<256x128xi1>, vector<256x128xi32>
    %lt3A_473 = arith.cmpf olt, %slice3A_68, %min3A_466 : vector<256x128xf32>
    %min3A_474 = arith.minimumf %min3A_466, %slice3A_68 : vector<256x128xf32>
    %mul3A_475 = arith.constant 64 : i32
    %mul3A_476 = arith.muli %arg1, %mul3A_475 : i32
    %add3A_477 = arith.constant 50 : i32
    %add3A_478 = arith.addi %mul3A_476, %add3A_477 : i32
    %broadcast_in_dim3A_479 = vector.broadcast %add3A_478 : i32 to vector<256x128xi32>
    %select_n3A_480 = arith.select %lt3A_473, %broadcast_in_dim3A_479, %select_n3A_472 : vector<256x128xi1>, vector<256x128xi32>
    %lt3A_481 = arith.cmpf olt, %slice3A_69, %min3A_474 : vector<256x128xf32>
    %min3A_482 = arith.minimumf %min3A_474, %slice3A_69 : vector<256x128xf32>
    %mul3A_483 = arith.constant 64 : i32
    %mul3A_484 = arith.muli %arg1, %mul3A_483 : i32
    %add3A_485 = arith.constant 51 : i32
    %add3A_486 = arith.addi %mul3A_484, %add3A_485 : i32
    %broadcast_in_dim3A_487 = vector.broadcast %add3A_486 : i32 to vector<256x128xi32>
    %select_n3A_488 = arith.select %lt3A_481, %broadcast_in_dim3A_487, %select_n3A_480 : vector<256x128xi1>, vector<256x128xi32>
    %lt3A_489 = arith.cmpf olt, %slice3A_70, %min3A_482 : vector<256x128xf32>
    %min3A_490 = arith.minimumf %min3A_482, %slice3A_70 : vector<256x128xf32>
    %mul3A_491 = arith.constant 64 : i32
    %mul3A_492 = arith.muli %arg1, %mul3A_491 : i32
    %add3A_493 = arith.constant 52 : i32
    %add3A_494 = arith.addi %mul3A_492, %add3A_493 : i32
    %broadcast_in_dim3A_495 = vector.broadcast %add3A_494 : i32 to vector<256x128xi32>
    %select_n3A_496 = arith.select %lt3A_489, %broadcast_in_dim3A_495, %select_n3A_488 : vector<256x128xi1>, vector<256x128xi32>
    %lt3A_497 = arith.cmpf olt, %slice3A_71, %min3A_490 : vector<256x128xf32>
    %min3A_498 = arith.minimumf %min3A_490, %slice3A_71 : vector<256x128xf32>
    %mul3A_499 = arith.constant 64 : i32
    %mul3A_500 = arith.muli %arg1, %mul3A_499 : i32
    %add3A_501 = arith.constant 53 : i32
    %add3A_502 = arith.addi %mul3A_500, %add3A_501 : i32
    %broadcast_in_dim3A_503 = vector.broadcast %add3A_502 : i32 to vector<256x128xi32>
    %select_n3A_504 = arith.select %lt3A_497, %broadcast_in_dim3A_503, %select_n3A_496 : vector<256x128xi1>, vector<256x128xi32>
    %lt3A_505 = arith.cmpf olt, %slice3A_72, %min3A_498 : vector<256x128xf32>
    %min3A_506 = arith.minimumf %min3A_498, %slice3A_72 : vector<256x128xf32>
    %mul3A_507 = arith.constant 64 : i32
    %mul3A_508 = arith.muli %arg1, %mul3A_507 : i32
    %add3A_509 = arith.constant 54 : i32
    %add3A_510 = arith.addi %mul3A_508, %add3A_509 : i32
    %broadcast_in_dim3A_511 = vector.broadcast %add3A_510 : i32 to vector<256x128xi32>
    %select_n3A_512 = arith.select %lt3A_505, %broadcast_in_dim3A_511, %select_n3A_504 : vector<256x128xi1>, vector<256x128xi32>
    %lt3A_513 = arith.cmpf olt, %slice3A_73, %min3A_506 : vector<256x128xf32>
    %min3A_514 = arith.minimumf %min3A_506, %slice3A_73 : vector<256x128xf32>
    %mul3A_515 = arith.constant 64 : i32
    %mul3A_516 = arith.muli %arg1, %mul3A_515 : i32
    %add3A_517 = arith.constant 55 : i32
    %add3A_518 = arith.addi %mul3A_516, %add3A_517 : i32
    %broadcast_in_dim3A_519 = vector.broadcast %add3A_518 : i32 to vector<256x128xi32>
    %select_n3A_520 = arith.select %lt3A_513, %broadcast_in_dim3A_519, %select_n3A_512 : vector<256x128xi1>, vector<256x128xi32>
    %lt3A_521 = arith.cmpf olt, %slice3A_74, %min3A_514 : vector<256x128xf32>
    %min3A_522 = arith.minimumf %min3A_514, %slice3A_74 : vector<256x128xf32>
    %mul3A_523 = arith.constant 64 : i32
    %mul3A_524 = arith.muli %arg1, %mul3A_523 : i32
    %add3A_525 = arith.constant 56 : i32
    %add3A_526 = arith.addi %mul3A_524, %add3A_525 : i32
    %broadcast_in_dim3A_527 = vector.broadcast %add3A_526 : i32 to vector<256x128xi32>
    %select_n3A_528 = arith.select %lt3A_521, %broadcast_in_dim3A_527, %select_n3A_520 : vector<256x128xi1>, vector<256x128xi32>
    %lt3A_529 = arith.cmpf olt, %slice3A_75, %min3A_522 : vector<256x128xf32>
    %min3A_530 = arith.minimumf %min3A_522, %slice3A_75 : vector<256x128xf32>
    %mul3A_531 = arith.constant 64 : i32
    %mul3A_532 = arith.muli %arg1, %mul3A_531 : i32
    %add3A_533 = arith.constant 57 : i32
    %add3A_534 = arith.addi %mul3A_532, %add3A_533 : i32
    %broadcast_in_dim3A_535 = vector.broadcast %add3A_534 : i32 to vector<256x128xi32>
    %select_n3A_536 = arith.select %lt3A_529, %broadcast_in_dim3A_535, %select_n3A_528 : vector<256x128xi1>, vector<256x128xi32>
    %lt3A_537 = arith.cmpf olt, %slice3A_76, %min3A_530 : vector<256x128xf32>
    %min3A_538 = arith.minimumf %min3A_530, %slice3A_76 : vector<256x128xf32>
    %mul3A_539 = arith.constant 64 : i32
    %mul3A_540 = arith.muli %arg1, %mul3A_539 : i32
    %add3A_541 = arith.constant 58 : i32
    %add3A_542 = arith.addi %mul3A_540, %add3A_541 : i32
    %broadcast_in_dim3A_543 = vector.broadcast %add3A_542 : i32 to vector<256x128xi32>
    %select_n3A_544 = arith.select %lt3A_537, %broadcast_in_dim3A_543, %select_n3A_536 : vector<256x128xi1>, vector<256x128xi32>
    %lt3A_545 = arith.cmpf olt, %slice3A_77, %min3A_538 : vector<256x128xf32>
    %min3A_546 = arith.minimumf %min3A_538, %slice3A_77 : vector<256x128xf32>
    %mul3A_547 = arith.constant 64 : i32
    %mul3A_548 = arith.muli %arg1, %mul3A_547 : i32
    %add3A_549 = arith.constant 59 : i32
    %add3A_550 = arith.addi %mul3A_548, %add3A_549 : i32
    %broadcast_in_dim3A_551 = vector.broadcast %add3A_550 : i32 to vector<256x128xi32>
    %select_n3A_552 = arith.select %lt3A_545, %broadcast_in_dim3A_551, %select_n3A_544 : vector<256x128xi1>, vector<256x128xi32>
    %lt3A_553 = arith.cmpf olt, %slice3A_78, %min3A_546 : vector<256x128xf32>
    %min3A_554 = arith.minimumf %min3A_546, %slice3A_78 : vector<256x128xf32>
    %mul3A_555 = arith.constant 64 : i32
    %mul3A_556 = arith.muli %arg1, %mul3A_555 : i32
    %add3A_557 = arith.constant 60 : i32
    %add3A_558 = arith.addi %mul3A_556, %add3A_557 : i32
    %broadcast_in_dim3A_559 = vector.broadcast %add3A_558 : i32 to vector<256x128xi32>
    %select_n3A_560 = arith.select %lt3A_553, %broadcast_in_dim3A_559, %select_n3A_552 : vector<256x128xi1>, vector<256x128xi32>
    %lt3A_561 = arith.cmpf olt, %slice3A_79, %min3A_554 : vector<256x128xf32>
    %min3A_562 = arith.minimumf %min3A_554, %slice3A_79 : vector<256x128xf32>
    %mul3A_563 = arith.constant 64 : i32
    %mul3A_564 = arith.muli %arg1, %mul3A_563 : i32
    %add3A_565 = arith.constant 61 : i32
    %add3A_566 = arith.addi %mul3A_564, %add3A_565 : i32
    %broadcast_in_dim3A_567 = vector.broadcast %add3A_566 : i32 to vector<256x128xi32>
    %select_n3A_568 = arith.select %lt3A_561, %broadcast_in_dim3A_567, %select_n3A_560 : vector<256x128xi1>, vector<256x128xi32>
    %lt3A_569 = arith.cmpf olt, %slice3A_80, %min3A_562 : vector<256x128xf32>
    %min3A_570 = arith.minimumf %min3A_562, %slice3A_80 : vector<256x128xf32>
    %mul3A_571 = arith.constant 64 : i32
    %mul3A_572 = arith.muli %arg1, %mul3A_571 : i32
    %add3A_573 = arith.constant 62 : i32
    %add3A_574 = arith.addi %mul3A_572, %add3A_573 : i32
    %broadcast_in_dim3A_575 = vector.broadcast %add3A_574 : i32 to vector<256x128xi32>
    %select_n3A_576 = arith.select %lt3A_569, %broadcast_in_dim3A_575, %select_n3A_568 : vector<256x128xi1>, vector<256x128xi32>
    %lt3A_577 = arith.cmpf olt, %slice3A_81, %min3A_570 : vector<256x128xf32>
    %min3A_578 = arith.minimumf %min3A_570, %slice3A_81 : vector<256x128xf32>
    %mul3A_579 = arith.constant 64 : i32
    %mul3A_580 = arith.muli %arg1, %mul3A_579 : i32
    %add3A_581 = arith.constant 63 : i32
    %add3A_582 = arith.addi %mul3A_580, %add3A_581 : i32
    %broadcast_in_dim3A_583 = vector.broadcast %add3A_582 : i32 to vector<256x128xi32>
    %select_n3A_584 = arith.select %lt3A_577, %broadcast_in_dim3A_583, %select_n3A_576 : vector<256x128xi1>, vector<256x128xi32>
    %eq3A = arith.constant 0 : i32
    %eq3A_585 = arith.cmpi eq, %arg1, %eq3A : i32
    %convert_element_type3A = arith.extui %eq3A_585 : i1 to i32
    %cond3A = arith.constant 0 : i32
    %cond3A_586 = arith.cmpi ne, %convert_element_type3A, %cond3A : i32
    scf.if %cond3A_586 {
      %swap3A_596 = arith.constant 0 : index
      %swap3A_597 = arith.constant 0 : index
      %swap3A_598 = vector.load %arg8[%swap3A_596, %swap3A_597] : memref<256x128xf32, #tpu.memory_space<vmem>>, vector<256x128xf32>
      tpu.vector_store %arg8[%swap3A_596, %swap3A_597], %min3A_578 {strides = array<i32>} : memref<256x128xf32, #tpu.memory_space<vmem>>, vector<256x128xf32>,
      %swap3A_599 = arith.constant 0 : index
      %swap3A_600 = arith.constant 0 : index
      %swap3A_601 = vector.load %arg9[%swap3A_599, %swap3A_600] : memref<256x128xi32, #tpu.memory_space<vmem>>, vector<256x128xi32>
      tpu.vector_store %arg9[%swap3A_599, %swap3A_600], %select_n3A_584 {strides = array<i32>} : memref<256x128xi32, #tpu.memory_space<vmem>>, vector<256x128xi32>,
    } else {
    }
    %ne3A = arith.constant 0 : i32
    %ne3A_587 = arith.cmpi ne, %arg1, %ne3A : i32
    %convert_element_type3A_588 = arith.extui %ne3A_587 : i1 to i32
    %cond3A_589 = arith.constant 0 : i32
    %cond3A_590 = arith.cmpi ne, %convert_element_type3A_588, %cond3A_589 : i32
    scf.if %cond3A_590 {
      %get3A_596 = arith.constant 0 : index
      %get3A_597 = arith.constant 0 : index
      %get3A_598 = vector.load %arg8[%get3A_596, %get3A_597] : memref<256x128xf32, #tpu.memory_space<vmem>>, vector<256x128xf32>
      %lt3A_599 = arith.cmpf olt, %min3A_578, %get3A_598 : vector<256x128xf32>
      %get3A_600 = arith.constant 0 : index
      %get3A_601 = arith.constant 0 : index
      %get3A_602 = vector.load %arg9[%get3A_600, %get3A_601] : memref<256x128xi32, #tpu.memory_space<vmem>>, vector<256x128xi32>
      %select_n3A_603 = arith.select %lt3A_599, %select_n3A_584, %get3A_602 : vector<256x128xi1>, vector<256x128xi32>
      %swap3A_604 = arith.constant 0 : index
      %swap3A_605 = arith.constant 0 : index
      %swap3A_606 = vector.load %arg9[%swap3A_604, %swap3A_605] : memref<256x128xi32, #tpu.memory_space<vmem>>, vector<256x128xi32>
      tpu.vector_store %arg9[%swap3A_604, %swap3A_605], %select_n3A_603 {strides = array<i32>} : memref<256x128xi32, #tpu.memory_space<vmem>>, vector<256x128xi32>,
      %get3A_607 = arith.constant 0 : index
      %get3A_608 = arith.constant 0 : index
      %get3A_609 = vector.load %arg8[%get3A_607, %get3A_608] : memref<256x128xf32, #tpu.memory_space<vmem>>, vector<256x128xf32>
      %select_n3A_610 = arith.select %lt3A_599, %min3A_578, %get3A_609 : vector<256x128xi1>, vector<256x128xf32>
      %swap3A_611 = arith.constant 0 : index
      %swap3A_612 = arith.constant 0 : index
      %swap3A_613 = vector.load %arg8[%swap3A_611, %swap3A_612] : memref<256x128xf32, #tpu.memory_space<vmem>>, vector<256x128xf32>
      tpu.vector_store %arg8[%swap3A_611, %swap3A_612], %select_n3A_610 {strides = array<i32>} : memref<256x128xf32, #tpu.memory_space<vmem>>, vector<256x128xf32>,
    } else {
    }
    %eq3A_591 = arith.constant 0 : i32
    %eq3A_592 = arith.cmpi eq, %arg1, %eq3A_591 : i32
    %convert_element_type3A_593 = arith.extui %eq3A_592 : i1 to i32
    %cond3A_594 = arith.constant 0 : i32
    %cond3A_595 = arith.cmpi ne, %convert_element_type3A_593, %cond3A_594 : i32
    scf.if %cond3A_595 {
      %get3A_596 = arith.constant 0 : index
      %get3A_597 = arith.constant 0 : index
      %get3A_598 = vector.load %arg8[%get3A_596, %get3A_597] : memref<256x128xf32, #tpu.memory_space<vmem>>, vector<256x128xf32>
      %reduce_min3A = arith.constant dense<0x7F800000> : vector<256xf32>
      %reduce_min3A_599 = vector.multi_reduction <minimumf>, %get3A_598, %reduce_min3A [1] : vector<256x128xf32> to vector<256xf32>
      %broadcast_in_dim3A_600 = vector.shape_cast %reduce_min3A_599 : vector<256xf32> to vector<256x1xf32>
      %iota3A = tpu.iota {dimensions = array<i32: 1>} : vector<256x128xi32>
      %eq3A_601 = vector.broadcast %broadcast_in_dim3A_600 : vector<256x1xf32> to vector<256x128xf32>
      %eq3A_602 = arith.cmpf oeq, %get3A_598, %eq3A_601 : vector<256x128xf32>
      %get3A_603 = arith.constant 0 : index
      %get3A_604 = arith.constant 0 : index
      %get3A_605 = vector.load %arg9[%get3A_603, %get3A_604] : memref<256x128xi32, #tpu.memory_space<vmem>>, vector<256x128xi32>
      %mul3A_606 = arith.constant 128 : i32
      %mul3A_607 = vector.broadcast %mul3A_606 : i32 to vector<256x128xi32>
      %mul3A_608 = arith.muli %get3A_605, %mul3A_607 : vector<256x128xi32>
      %add3A_609 = arith.addi %mul3A_608, %iota3A : vector<256x128xi32>
      %jit3A = arith.constant 1073741824 : i32
      %broadcast_in_dim3A_610 = vector.broadcast %jit3A : i32 to vector<256x128xi32>
      %select_n3A_611 = arith.select %eq3A_602, %add3A_609, %broadcast_in_dim3A_610 : vector<256x128xi1>, vector<256x128xi32>
      %reduce_min3A_612 = arith.constant dense<2147483647> : vector<256xi32>
      %reduce_min3A_613 = vector.multi_reduction <minsi>, %select_n3A_611, %reduce_min3A_612 [1] : vector<256x128xi32> to vector<256xi32>
      %broadcast_in_dim3A_614 = vector.shape_cast %reduce_min3A_613 : vector<256xi32> to vector<256x1xi32>
      %swap3A_615 = arith.constant 0 : index
      %swap3A_616 = arith.constant 0 : index
      %swap3A_617 = vector.load %arg7[%swap3A_615, %swap3A_616] : memref<256x1xi32, #tpu.memory_space<vmem>>, vector<256x1xi32>
      tpu.vector_store %arg7[%swap3A_615, %swap3A_616], %broadcast_in_dim3A_614 {strides = array<i32>} : memref<256x1xi32, #tpu.memory_space<vmem>>, vector<256x1xi32>,
    } else {
    }
    return
  }
  func.func @transform_0(%arg0: i32, %arg1: i32) -> (i32, i32) {
    %c0_i32 = arith.constant 0 : i32
    %c0_i32_0 = arith.constant 0 : i32
    return %arg0, %c0_i32 : i32, i32
  }
  func.func @transform_1(%arg0: i32, %arg1: i32) -> (i32, i32) {
    %c0_i32 = arith.constant 0 : i32
    %c0_i32_0 = arith.constant 0 : i32
    return %c0_i32, %arg1 : i32, i32
  }
  func.func @transform_2(%arg0: i32, %arg1: i32) -> (i32, i32) {
    %c0_i32 = arith.constant 0 : i32
    %c0_i32_0 = arith.constant 0 : i32
    return %arg0, %c0_i32 : i32, i32
  }
  func.func @transform_3(%arg0: i32, %arg1: i32) -> (i32, i32) {
    %c0_i32 = arith.constant 0 : i32
    %c0_i32_0 = arith.constant 0 : i32
    return %arg1, %c0_i32 : i32, i32
  }
  func.func @transform_4(%arg0: i32, %arg1: i32) -> (i32, i32) {
    %c0_i32 = arith.constant 0 : i32
    return %arg0, %arg1 : i32, i32
  }
  func.func @transform_5(%arg0: i32, %arg1: i32) -> (i32, i32) {
    %c0_i32 = arith.constant 0 : i32
    %c0_i32_0 = arith.constant 0 : i32
    return %arg0, %c0_i32 : i32, i32
  }
}

module attributes {stable_mosaic.version = 14 : i64} {
  func.func @_epilogue_kernel(%arg0: i32, %arg1: memref<8192x32xf32, #tpu.memory_space<vmem>>, %arg2: memref<8192x32xf32, #tpu.memory_space<vmem>>, %arg3: memref<32x8192xf32, #tpu.memory_space<vmem>>, %arg4: memref<1x16xf32, #tpu.memory_space<vmem>>, %arg5: memref<8192x32xf32, #tpu.memory_space<vmem>>, %arg6: memref<1x1xf32, #tpu.memory_space<vmem>>, %arg7: memref<1x1xf32, #tpu.memory_space<vmem>>) attributes {dimension_semantics = [#tpu.dimension_semantics<arbitrary>], iteration_bounds = array<i64: 1>, scalar_prefetch = 0 : i64, scratch_operands = 0 : i64, tpu.core_type = #tpu.core_type<tc>, window_params = [{pipeline_mode = #tpu.pipeline_mode<synchronous>, transform_indices = @transform_0, window_bounds = array<i64: 8192, 32>}, {pipeline_mode = #tpu.pipeline_mode<synchronous>, transform_indices = @transform_1, window_bounds = array<i64: 8192, 32>}, {pipeline_mode = #tpu.pipeline_mode<synchronous>, transform_indices = @transform_2, window_bounds = array<i64: 32, 8192>}, {pipeline_mode = #tpu.pipeline_mode<synchronous>, transform_indices = @transform_3, window_bounds = array<i64: 1, 16>}, {pipeline_mode = #tpu.pipeline_mode<synchronous>, transform_indices = @transform_4, window_bounds = array<i64: 8192, 32>}, {pipeline_mode = #tpu.pipeline_mode<synchronous>, transform_indices = @transform_5, window_bounds = array<i64: 1, 1>}, {pipeline_mode = #tpu.pipeline_mode<synchronous>, transform_indices = @transform_6, window_bounds = array<i64: 1, 1>}]} {
    %get3A = arith.constant 0 : index
    %get3A_0 = arith.constant 0 : index
    %get3A_1 = vector.load %arg1[%get3A, %get3A_0] : memref<8192x32xf32, #tpu.memory_space<vmem>>, vector<8192x32xf32>
    %get3A_2 = arith.constant 0 : index
    %get3A_3 = arith.constant 0 : index
    %get3A_4 = vector.load %arg2[%get3A_2, %get3A_3] : memref<8192x32xf32, #tpu.memory_space<vmem>>, vector<8192x32xf32>
    %sub3A = arith.subf %get3A_4, %get3A_1 : vector<8192x32xf32>
    %add3A = arith.addf %get3A_1, %sub3A : vector<8192x32xf32>
    %swap3A = arith.constant 0 : index
    %swap3A_5 = arith.constant 0 : index
    %swap3A_6 = vector.load %arg5[%swap3A, %swap3A_5] : memref<8192x32xf32, #tpu.memory_space<vmem>>, vector<8192x32xf32>
    tpu.vector_store %arg5[%swap3A, %swap3A_5], %add3A {strides = array<i32>} : memref<8192x32xf32, #tpu.memory_space<vmem>>, vector<8192x32xf32>,
    %sub3A_7 = arith.subf %get3A_4, %get3A_1 : vector<8192x32xf32>
    %mul3A = arith.mulf %sub3A_7, %sub3A_7 : vector<8192x32xf32>
    %reduce_sum3A = vector.shape_cast %mul3A : vector<8192x32xf32> to vector<1x8192x32xf32>
    %reduce_sum3A_8 = arith.constant dense<0.000000e+00> : vector<1xf32>
    %reduce_sum3A_9 = vector.multi_reduction <add>, %reduce_sum3A, %reduce_sum3A_8 [1, 2] : vector<1x8192x32xf32> to vector<1xf32>
    %reduce_sum3A_10 = vector.shape_cast %reduce_sum3A_9 : vector<1xf32> to vector<1x1x1xf32>
    %reduce_sum3A_11 = vector.extract %reduce_sum3A_10[0, 0, 0] : f32 from vector<1x1x1xf32>
    %mul3A_12 = arith.constant 3.81469727E-6 : f32
    %mul3A_13 = arith.mulf %reduce_sum3A_11, %mul3A_12 : f32
    %mul3A_14 = arith.constant 2.500000e-01 : f32
    %mul3A_15 = arith.mulf %mul3A_14, %mul3A_13 : f32
    %add3A_16 = arith.addf %mul3A_15, %mul3A_13 : f32
    %get3A_17 = arith.constant 0 : index
    %get3A_18 = arith.constant 0 : index
    %get3A_19 = vector.load %arg4[%get3A_17, %get3A_18] : memref<1x16xf32, #tpu.memory_space<vmem>>, vector<1x1xf32>
    %get3A_20 = vector.extract %get3A_19[0, 0] : f32 from vector<1x1xf32>
    %mul3A_21 = arith.constant 0.000000e+00 : f32
    %mul3A_22 = arith.mulf %mul3A_21, %get3A_20 : f32
    %add3A_23 = arith.addf %add3A_16, %mul3A_22 : f32
    %reshape3A = vector.broadcast %add3A_23 : f32 to vector<1x1xf32>
    %swap3A_24 = arith.constant 0 : index
    %swap3A_25 = arith.constant 0 : index
    %swap3A_26 = vector.load %arg6[%swap3A_24, %swap3A_25] : memref<1x1xf32, #tpu.memory_space<vmem>>, vector<1x1xf32>
    tpu.vector_store %arg6[%swap3A_24, %swap3A_25], %reshape3A {strides = array<i32>} : memref<1x1xf32, #tpu.memory_space<vmem>>, vector<1x1xf32>,
    %get3A_27 = arith.constant 0 : index
    %get3A_28 = arith.constant 0 : index
    %get3A_29 = vector.load %arg3[%get3A_27, %get3A_28] : memref<32x8192xf32, #tpu.memory_space<vmem>>, vector<32x8192xf32>
    %reduce_sum3A_30 = arith.constant dense<0.000000e+00> : vector<8192xf32>
    %reduce_sum3A_31 = vector.multi_reduction <add>, %get3A_29, %reduce_sum3A_30 [0] : vector<32x8192xf32> to vector<8192xf32>
    %mul3A_32 = arith.constant 1.22070313E-4 : f32
    %mul3A_33 = vector.broadcast %mul3A_32 : f32 to vector<8192xf32>
    %mul3A_34 = arith.mulf %reduce_sum3A_31, %mul3A_33 : vector<8192xf32>
    %add3A_35 = arith.constant 1.000000e-10 : f32
    %add3A_36 = vector.broadcast %add3A_35 : f32 to vector<8192xf32>
    %add3A_37 = arith.addf %mul3A_34, %add3A_36 : vector<8192xf32>
    %log3A = math.log %add3A_37 : vector<8192xf32>
    %mul3A_38 = arith.mulf %mul3A_34, %log3A : vector<8192xf32>
    %reduce_sum3A_39 = vector.shape_cast %mul3A_38 : vector<8192xf32> to vector<1x8192xf32>
    %reduce_sum3A_40 = arith.constant dense<0.000000e+00> : vector<1xf32>
    %reduce_sum3A_41 = vector.multi_reduction <add>, %reduce_sum3A_39, %reduce_sum3A_40 [1] : vector<1x8192xf32> to vector<1xf32>
    %reduce_sum3A_42 = vector.shape_cast %reduce_sum3A_41 : vector<1xf32> to vector<1x1xf32>
    %reduce_sum3A_43 = vector.extract %reduce_sum3A_42[0, 0] : f32 from vector<1x1xf32>
    %neg3A = arith.constant 0.000000e+00 : f32
    %neg3A_44 = arith.subf %neg3A, %reduce_sum3A_43 : f32
    %exp3A = math.exp %neg3A_44 : f32
    %reshape3A_45 = vector.broadcast %exp3A : f32 to vector<1x1xf32>
    %swap3A_46 = arith.constant 0 : index
    %swap3A_47 = arith.constant 0 : index
    %swap3A_48 = vector.load %arg7[%swap3A_46, %swap3A_47] : memref<1x1xf32, #tpu.memory_space<vmem>>, vector<1x1xf32>
    tpu.vector_store %arg7[%swap3A_46, %swap3A_47], %reshape3A_45 {strides = array<i32>} : memref<1x1xf32, #tpu.memory_space<vmem>>, vector<1x1xf32>,
    return
  }
  func.func @transform_0(%arg0: i32) -> (i32, i32) {
    %c0_i32 = arith.constant 0 : i32
    %c0_i32_0 = arith.constant 0 : i32
    %c0_i32_1 = arith.constant 0 : i32
    return %c0_i32, %c0_i32_0 : i32, i32
  }
  func.func @transform_1(%arg0: i32) -> (i32, i32) {
    %c0_i32 = arith.constant 0 : i32
    %c0_i32_0 = arith.constant 0 : i32
    %c0_i32_1 = arith.constant 0 : i32
    return %c0_i32, %c0_i32_0 : i32, i32
  }
  func.func @transform_2(%arg0: i32) -> (i32, i32) {
    %c0_i32 = arith.constant 0 : i32
    %c0_i32_0 = arith.constant 0 : i32
    %c0_i32_1 = arith.constant 0 : i32
    return %c0_i32, %c0_i32_0 : i32, i32
  }
  func.func @transform_3(%arg0: i32) -> (i32, i32) {
    %c0_i32 = arith.constant 0 : i32
    %c0_i32_0 = arith.constant 0 : i32
    %c0_i32_1 = arith.constant 0 : i32
    return %c0_i32, %c0_i32_0 : i32, i32
  }
  func.func @transform_4(%arg0: i32) -> (i32, i32) {
    %c0_i32 = arith.constant 0 : i32
    %c0_i32_0 = arith.constant 0 : i32
    %c0_i32_1 = arith.constant 0 : i32
    return %c0_i32, %c0_i32_0 : i32, i32
  }
  func.func @transform_5(%arg0: i32) -> (i32, i32) {
    %c0_i32 = arith.constant 0 : i32
    %c0_i32_0 = arith.constant 0 : i32
    %c0_i32_1 = arith.constant 0 : i32
    return %c0_i32, %c0_i32_0 : i32, i32
  }
  func.func @transform_6(%arg0: i32) -> (i32, i32) {
    %c0_i32 = arith.constant 0 : i32
    %c0_i32_0 = arith.constant 0 : i32
    %c0_i32_1 = arith.constant 0 : i32
    return %c0_i32, %c0_i32_0 : i32, i32
  }
}

</mosaic_0001>

<sc_bundles>
// kernel: kernel.6.cloned.1.call-start
scs
__scs_entry_jumppad:
0x0: {  	(pc) =	sbr.rel $0x88, $3  }
0x1: {  	(tag) =	ssettag $0x0;
	lr =	simm.s32 $0x1  }
0x2: {  	[smem:$0x3F9F] =	sst lr;
	_ =	strace $0xD0000000  }
0x3: {  	_ = 	snop  }
0x4: {  	_ = 	snop  }
0x5: {  	_ = 	snop  }
0x6: {  	_ = 	snop  }
0x7: {  	_ = 	snop  }
__scs_overlays_trampoline_lowered:
0x8: {  	[smem:$0x3FAE] =	sst s0  }
0x9: {  	[smem:$0x3FAF] =	sst s1  }
0xa: {  	[smem:$0x3FB0] =	sst s2  }
0xb: {  	[smem:$0x3FB1] =	sst s3  }
0xc: {  	[smem:$0x3FB2] =	sst s4  }
0xd: {  	[smem:$0x3FB3] =	sst s5  }
0xe: {  	[smem:$0x3FB4] =	sst s6  }
0xf: {  	[smem:$0x3FB5] =	sst s7  }
0x10: {  	[smem:$0x3FB6] =	sst s8  }
0x11: {  	[smem:$0x3FB7] =	sst s9;
	s0 =	simm.s32 @!p0 $0x0  }
0x12: {  	s1 =	sld [smem:$0x3F9D];
	s0 =	simm.s32 @p0 $0x1  }
0x13: {  	[smem:$0x3FB8] =	sst s0;
	s0 =	simm.s32 @!p1 $0x0  }
0x14: {  	s2 =	sld [smem:$0x3F9C];
	s0 =	simm.s32 @p1 $0x1  }
0x15: {  	[smem:$0x3FB9] =	sst s0;
	s0 =	simm.s32 @!p2 $0x0  }
0x16: {  	s3 =	sld [smem:$0x3FDB];
	s0 =	simm.s32 @p2 $0x1  }
0x17: {  	s4 =	simm.s32 $0x1BF5;
	[smem:$0x3FBB] =	sst s0  }
0x18: {  	s0 =	sld [smem:$0x3F9E];
	_ =	swait.ge [sflag:s4], $0x0  }
0x19: {  	s7 =	sld [smem:$0x3F9F]  }
0x1a: {  	s8 =	sadd.s32 $0xFFFFE003, lr  }
0x1b: {  	s9 =	sadd.s32 $0xFFFFFEF7, lr;
	s5 =	simm.s32 $0xFFFFFFFF;
	p2 =	slt.u32 s8, $0xFFFFF086  }
0x1c: {  	p1 =	slt.u32 s9, $0xF7A;
	s5 =	simm.s32 @!p2 $0x0  }
0x1d: {  	s5 =	simm.s32 @p1 $0x1;
	p0 =	seq.s32 s7, s2  }
0x1e: {  	s7 =	smul.u32 @!p0 $0xF7A, s2;
	p2 =	seq.s32 @!p0 s5, $0x0  }
0x1f: {  	s9 =	smul.u32 $0xF7A, s1;
	s8 =	simm.s32 @!p0 $0x1BF5;
	p2 =	por !p2, p0  }
0x20: {  	[sflag:s8] =	ssyncset.s32 @!p0 $0xFFFFF086;
	s6 =	sadd.s32 @!p0 s3, s7;
	s7 =	simm.s32 @!p0 $0x108  }
0x21: {  	s3 =	sadd.s32 s3, s9;
	s6 =	sadd.s32 @!p0 $0x88, s6;
	s7 =	simm.s32 @p2 $0x1082  }
0x22: {  	[simem:s7], [sflag:s8] =	dma.local @!p0 [hbm:s6], $0xF7A  }
0x23: {  	s9 =	sor.u32 $0xD0000000, s2;
	s6 =	simm.s32 $0x108;
	_ =	swait.ge @!p0 [sflag:s8], $0x0  }
0x24: {  	s3 =	sadd.s32 $0x88, s3;
	s6 =	simm.s32 @!p1 $0x1082;
	[sflag:s4] =	ssyncset.s32 $0xFFFFF086  }
0x25: {  	[simem:s6], [sflag:s4] =	dma.local [hbm:s3], $0xF7A  }
0x26: {  	[smem:$0x3F9F] =	sst s1;
	(tag) =	ssettag s2;
	_ =	strace s9  }
0x27: {  	s1 =	sld [smem:$0x3FAF]  }
0x28: {  	s2 =	sld [smem:$0x3FB0]  }
0x29: {  	s4 =	sld [smem:$0x3FB2]  }
0x2a: {  	p0 =	seq.s32 s5, $0x0;
	s5 =	sld [smem:$0x3FB3]  }
0x2b: {  	s6 =	sld [smem:$0x3FB4]  }
0x2c: {  	s7 =	sld [smem:$0x3FB5]  }
0x2d: {  	s3 =	simm.s32 $0x108;
	s8 =	sld [smem:$0x3FB6]  }
0x2e: {  	s3 =	simm.s32 @!p0 $0x1082;
	s9 =	sld [smem:$0x3FB7]  }
0x2f: {  	lr =	sadd.s32 s0, s3;
	s0 =	sld [smem:$0x3FAE]  }
0x30: {  	s3 =	sld [smem:$0x3FB1]  }
0x31: {  	[smem:$0x3FBA] =	sst s10  }
0x32: {  	s10 =	sld [smem:$0x3FB8];
	_ =	sdelay $0x3  }
0x33: {  	p0 =	seq.s32 s10, $0x1;
	s10 =	sld [smem:$0x3FBA];
	_ =	sdelay $0x3  }
0x34: {  	[smem:$0x3FBA] =	sst s10  }
0x35: {  	s10 =	sld [smem:$0x3FB9];
	_ =	sdelay $0x3  }
0x36: {  	p1 =	seq.s32 s10, $0x1;
	s10 =	sld [smem:$0x3FBA];
	_ =	sdelay $0x3  }
0x37: {  	[smem:$0x3FBA] =	sst s10  }
0x38: {  	s10 =	sld [smem:$0x3FBB]  }
0x39: {  	_ = 	snop;
	(pc) =	sbr.ind lr, $3  }
0x3a: {  	_ = 	snop  }
0x3b: {  	_ = 	snop  }
0x3c: {  	p2 =	seq.s32 s10, $0x1;
	s10 =	sld [smem:$0x3FBA]  }
0x3d: {  	_ =	shalt  }
0x3e: {  	_ =	shalt  }
0x3f: {  	_ =	shalt  }
0x40: {  	_ =	shalt  }
0x41: {  	_ =	shalt  }
0x42: {  	_ =	shalt  }
0x43: {  	_ =	shalt  }
0x44: {  	_ =	shalt  }
0x45: {  	_ =	shalt  }
0x46: {  	_ =	shalt  }
0x47: {  	_ =	shalt  }
0x48: {  	_ =	shalt  }
0x49: {  	_ =	shalt  }
0x4a: {  	_ =	shalt  }
0x4b: {  	_ =	shalt  }
0x4c: {  	_ =	shalt  }
0x4d: {  	_ =	shalt  }
0x4e: {  	_ =	shalt  }
0x4f: {  	_ =	shalt  }
0x50: {  	_ =	shalt  }
0x51: {  	_ =	shalt  }
0x52: {  	_ =	shalt  }
0x53: {  	_ =	shalt  }
0x54: {  	_ =	shalt  }
0x55: {  	_ =	shalt  }
0x56: {  	_ =	shalt  }
0x57: {  	_ =	shalt  }
0x58: {  	_ =	shalt  }
0x59: {  	_ =	shalt  }
0x5a: {  	_ =	shalt  }
0x5b: {  	_ =	shalt  }
0x5c: {  	_ =	shalt  }
0x5d: {  	_ =	shalt  }
0x5e: {  	_ =	shalt  }
0x5f: {  	_ =	shalt  }
0x60: {  	_ =	shalt  }
0x61: {  	_ =	shalt  }
0x62: {  	_ =	shalt  }
0x63: {  	_ =	shalt  }
0x64: {  	_ =	shalt  }
0x65: {  	_ =	shalt  }
0x66: {  	_ =	shalt  }
0x67: {  	_ =	shalt  }
0x68: {  	_ =	shalt  }
0x69: {  	_ =	shalt  }
0x6a: {  	_ =	shalt  }
0x6b: {  	_ =	shalt  }
0x6c: {  	_ =	shalt  }
0x6d: {  	_ =	shalt  }
0x6e: {  	_ =	shalt  }
0x6f: {  	_ =	shalt  }
0x70: {  	_ =	shalt  }
0x71: {  	_ =	shalt  }
0x72: {  	_ =	shalt  }
0x73: {  	_ =	shalt  }
0x74: {  	_ =	shalt  }
0x75: {  	_ =	shalt  }
0x76: {  	_ =	shalt  }
0x77: {  	_ =	shalt  }
0x78: {  	_ =	shalt  }
0x79: {  	_ =	shalt  }
0x7a: {  	_ =	shalt  }
0x7b: {  	_ =	shalt  }
0x7c: {  	_ =	shalt  }
0x7d: {  	_ =	shalt  }
0x7e: {  	_ =	shalt  }
0x7f: {  	_ =	shalt  }
0x80: {  	_ =	shalt  }
0x81: {  	_ =	shalt  }
0x82: {  	_ =	shalt  }
0x83: {  	_ =	shalt  }
0x84: {  	_ =	shalt  }
0x85: {  	_ =	shalt  }
0x86: {  	_ =	shalt  }
0x87: {  	_ =	shalt  }
.Lfunc_end0:
.L_simem_size_0:
called_computation_lowered:
.L_overlay_start_0:
0x88: {  	s2 =	sld [smem:$0x3FD9]  }
0x89: {  	s3 =	sld [smem:$0x3FFE];
	_ =	sdelay $0x1  }
0x8a: {  	s1 =	srdreg.scid  }
0x8b: {  	s0 =	sand.u32 $0x1, s1  }
0x8c: {  	s16 =	sshll.u32 s0, $0xA;
	s2 =	sadd.s32 s3, s2  }
0x8d: {  	s2 =	sadd.s32 s2, s16  }
0x8e: {  	[smem:$0x3FC6] =	sst s2  }
0x8f: {  	_ = 	snop  }
0x90: {  	s2 =	sld [smem:$0x3FD0];
	_ =	sdelay $0x2  }
0x91: {  	s4 =	simm.s32 $0xB;
	s17 =	simm.s32 $0x10  }
0x92: {  	[smem:s17], [sflag:s4] =	dma.local [hbm:s2], $0x1  }
0x93: {  	_ =	swait.eq [sflag:s4], $0x1  }
0x94: {  	[sflag:s4] =	ssyncset.done $0x0  }
0x95: {  	s18 =	sld [smem:$0x10];
	[sflag:s4] =	ssyncadd.s32 $0xFFFFFFFF  }
0x96: {  	s19 =	sld [smem:$0x12];
	(tm) =	ssettm $0x1  }
0x97: {  	s20 =	sld [smem:$0x3FFB];
	_ =	sdelay $0x3  }
0x98: {  	_ =	strace s20  }
0x99: {  	s2 =	sld [smem:$0x3FFC];
	_ =	sdelay $0x3  }
0x9a: {  	_ =	strace s2  }
0x9b: {  	s2 =	sld [smem:$0x3FFD];
	_ =	sdelay $0x3  }
0x9c: {  	_ =	strace s2  }
0x9d: {  	_ =	strace $0x8FFFFFFF  }
0x9e: {  	s21 =	sld [smem:$0x3FDB];
	_ =	sdelay $0x1  }
0x9f: {  	s5 =	simm.s32 $_scs_section_size  }
0xa0: {  	s6 =	simm.s32 $_size__tile_overlayer_lowered;
	s7 =	simm.s32 $_tile_overlayer_lowered  }
0xa1: {  	s8 =	simm.s32 $0x1BFF;
	s22 =	sshll.u32 s7, $0x1;
	s5 =	sadd.s32 s5, s21  }
0xa2: {  	s23 =	simm.s32 $0x0;
	s6 =	sshll.u32 s6, $0x1;
	s7 =	sadd.s32 s22, s5  }
0xa3: {  	[timem:s23], [sflag:s8] =	dma.local [hbm:s7], s6  }
0xa4: {  	_ =	swait.ge [sflag:s8], s6  }
0xa5: {  	s6 =	ssub.s32 $0x0, s6;
	[sflag:s8] =	ssyncset.done $0x0  }
0xa6: {  	[sflag:s8] =	ssyncadd.s32 s6;
	_ =	sdelay $0x1  }
0xa7: {  	s24 =	simm.s32 $0x1B8B  }
0xa8: {  	_ =	swait.ge [sflag:s24], $0x1  }
0xa9: {  	[sflag:s24] =	ssyncset.done $0x0  }
0xaa: {  	[sflag:s24] =	ssyncadd.s32 $0xFFFFFFFF  }
0xab: {  	s6 =	sld [smem:$0x0]  }
0xac: {  	s7 =	sand.u32 $0xFFFFFFFE, s1  }
0xad: {  	p0 =	sne.s32 s1, s7  }
0xae: {  	s7 =	sshll.u32 @p0 s7, $0xE  }
0xaf: {  	s7 =	sadd.s32 @p0 $0x11B8D, s7;
	s8 =	sshll.u32 @p0 s6, $0x11  }
0xb0: {  	s7 =	sor.u32 @p0 s8, s7  }
0xb1: {  	[sflag:s7] =	ssyncadd.remote.s32 @p0 $0x1;
	_ =	sdelay $0x1  }
0xb2: {  	s7 =	simm.s32 @p0 $0x1B8D  }
0xb3: {  	_ =	swait.eq @p0 [sflag:s7], $0x1  }
0xb4: {  	[sflag:s7] =	ssyncadd.s32 @p0 $0xFFFFFFFF  }
0xb5: {  	s8 =	sshll.u32 @!p0 s1, $0xE  }
0xb6: {  	s8 =	sor.u32 @!p0 $0x4000, s8;
	s7 =	simm.s32 @!p0 $0x1B8D  }
0xb7: {  	s6 =	sshll.u32 @!p0 s6, $0x11;
	s8 =	sadd.s32 @!p0 $0x11B8D, s8;
	_ =	swait.eq @!p0 [sflag:s7], $0x1  }
0xb8: {  	s6 =	sor.u32 @!p0 s6, s8;
	[sflag:s7] =	ssyncadd.s32 @!p0 $0xFFFFFFFF  }
0xb9: {  	s25 =	simm.s32 $0x1B8E;
	[sflag:s6] =	ssyncadd.remote.s32 @!p0 $0x1  }
0xba: {  	s26 =	simm.s32 $execute0_lowered;
	[smem:$0x3FD2] =	sst s25  }
0xbb: {  	s6 =	sshll.u32 s26, $0x1;
	_ =	strace $0x80000049;
	[dreg:$0x1] =	wrdreg $0xFFFFFFFF  }
0xbc: {  	s28 =	simm.s32 $_size_execute0_lowered;
	s5 =	sadd.s32 s5, s6;
	[dreg:$0x0] =	wrdreg $0x0  }
0xbd: {  	s6 =	sshll.u32 s28, $0x1;
	[dreg:$0x2] =	wrdreg s5  }
0xbe: {  	[dreg:$0x3] =	wrdreg s6  }
0xbf: {  	[dreg:$0x4] =	wrdreg $0xC0  }
0xc0: {  	_ =	task [dreg:s23], $0x5FFFF  }
0xc1: {  	[dreg:$0x1] =	wrdreg $0xFFFFFFFF  }
0xc2: {  	[dreg:$0x0] =	wrdreg $0x60  }
0xc3: {  	[dreg:$0x2] =	wrdreg s19  }
0xc4: {  	[dreg:$0x3] =	wrdreg s18  }
0xc5: {  	[dreg:$0x4] =	wrdreg $0x9  }
0xc6: {  	_ =	task.clear_ibuf [dreg:s23], $0x5FFFF;
	_ =	strace $0x90000049  }
0xc7: {  	s29 =	simm.s32 $0x9;
	_ =	strace $0x8000004B  }
0xc8: {  	_ =	swait.ge [sflag:s29], $0x1  }
0xc9: {  	[sflag:s29] =	ssyncadd.s32 $0xFFFFFFFF  }
0xca: {  	_ =	strace $0x9000004B  }
0xcb: {  	_ =	sfence  }
0xcc: {  	s30 =	sld [smem:$0x0];
	_ =	sdelay $0x2  }
0xcd: {  	s31 =	sshll.u32 s1, $0xD;
	s1 =	sshrl.u32 s1, $0x2  }
0xce: {  	s4 =	sand.u32 $0x4000, s31;
	s1 =	sadd.s32 s1, s30  }
0xcf: {  	s0 =	sor.u32 s4, s0;
	s1 =	sshll.u32 s1, $0x11  }
0xd0: {  	s0 =	sor.u32 s1, s0  }
0xd1: {  	s0 =	sadd.s32 $0x8F2B, s0  }
0xd2: {  	[sflag:s0] =	ssyncadd.remote.s32 $0x1  }
0xd3: {  	_ =	sfence.sel $0xFFFF  }
0xd4: {  	[dreg:$0x0] =	wrdreg $0xFFFFFFFF;
	(pc) =	sbr.abs _section_cstart, $3  }
0xd5: {  	[dreg:$0x1] =	wrdreg $0xFFFFFFFF  }
0xd6: {  	_ =	task.clear_ibuf [dreg:s23], $0x2FFFF;
	_ =	strace $0x9FFFFFFF  }
0xd7: {  	(tm) =	ssettm $0x7FFFFFFF  }
tec
execute0_lowered:
.L_overlay_start_1:
0x0: {  	(tag) =	ssettag $0x1  }
0x1: {  	s0 =	srdreg.scid  }
0x2: {  	s4 =	sand.u32 $0x1, s0;
	s0 =	stileid.u32  }
0x3: {  	s5 =	sshll.u32 s0, $0x1;
	s6 =	ssub.s32 $0x0, s4  }
0x4: {  	p0 =	sne.s32 s5, s6  }
.Ltmp0:
0x5: {  	_ = 	snop;
	(pc) =	sbr.rel @p0 .LBB2_4-.Ltmp0, $4  }
0x6: {  	_ = 	snop  }
0x7: {  	s2 =	rddreg [dreg:$0x0]  }
0x8: {  	s3 =	rddreg [dreg:$0x1]  }
0x9: {  	s1 =	rddreg [dreg:$0x2];
	_ =	strace $0x8000004A  }
0xa: {  	s6 =	ssub.s32 $0x2, s4;
	s5 =	simm.s32 $0x0  }
0xb: {  	[tilespmem:s5], [sflag:$0x1] =	stream.linear.gather [hbm4b:s2+s5], $0x10, $0x38;
	[tilespmem:$0x10] =	vst v63  }
0xc: {  	s7 =	sshrl.u32 s6, $0x1  }
0xd: {  	s6 =	ssub.s32 s6, s7  }
0xe: {  	s4 =	simm.s32 $0x1;
	s6 =	smax.u32 s6, $0x1  }
0xf: {  	_ =	swait.ge [sflag:s4], $0x10;
	p0 =	sne.s32 s6, $0x1  }
.Ltmp1:
0x10: {  	[sflag:s4] =	ssyncset.done $0x0;
	(pc) =	sbr.rel @!p0 .LBB2_3-.Ltmp1, $4  }
0x11: {  	[sflag:s4] =	ssyncadd.s32 $0xFFFFFFF0  }
0x12: {  	[hbm4b:s3+s5] =	stream.linear.scatter [tilespmem:s5], [sflag:$0x1], $0x10, $0x38;
	[tilespmem:$0x10] =	vst v63  }
0x13: {  	_ =	swait.ge [sflag:s4], $0x10  }
0x14: {  	s6 =	sadd.s32 $0xFFFFFFFF, s6;
	[sflag:s4] =	ssyncset.done $0x0  }
.LBB2_2:
0x15: {  	p0 =	sne.s32 s6, $0x1;
	s6 =	sadd.s32 $0xFFFFFFFF, s6;
	[sflag:s4] =	ssyncadd.s32 $0xFFFFFFF0  }
0x16: {  	[tilespmem:s5], [sflag:$0x1] =	stream.linear.gather [hbm4b:s2+s5], $0x10, $0x38;
	[tilespmem:$0x10] =	vst v63  }
0x17: {  	_ =	swait.ge [sflag:s4], $0x10  }
.Ltmp2:
0x18: {  	[sflag:s4] =	ssyncset.done $0x0;
	(pc) =	sbr.rel @p0 .LBB2_2-.Ltmp2, $4  }
0x19: {  	[sflag:s4] =	ssyncadd.s32 $0xFFFFFFF0  }
0x1a: {  	[hbm4b:s3+s5] =	stream.linear.scatter [tilespmem:s5], [sflag:$0x1], $0x10, $0x38;
	[tilespmem:$0x10] =	vst v63  }
0x1b: {  	_ =	swait.ge [sflag:s4], $0x10  }
0x1c: {  	[sflag:s4] =	ssyncset.done $0x0  }
.LBB2_3:
0x1d: {  	[sflag:s4] =	ssyncadd.s32 $0xFFFFFFF0  }
.LBB2_4:
0x1e: {  	_ =	sfence.sel $0x180000  }
0x1f: {  	[bflag:$0x0] =	sbarrier.arrive $0xFFFF  }
0x20: {  	p0 =	sne.s32 s0, $0x0;
	_ =	strace $0x9000004A  }
0x21: {  	s0 =	sadd.s32 @!p0 $0x100000, s1;
	[bflag:$0x2] =	sbarrier.arrive $0xFFFF  }
0x22: {  	[sflag:s0] =	ssyncadd.tile.s32 @!p0 $0x1;
	_ =	shalt  }
.Lfunc_end2:
_tile_overlayer_lowered:
.L_overlay_start_2:
0x23: {  	(tag) =	ssettag $0x2  }
0x24: {  	s0 =	rddreg [dreg:$0x0];
	s2 =	stileid.u32  }
0x25: {  	s1 =	rddreg [dreg:$0x1];
	p0 =	sne.s32 s2, $0x0  }
0x26: {  	s3 =	rddreg [dreg:$0x2];
	[bflag:$0x3] =	sbarrier.arrive $0xFFFF;
	s2 =	simm.s32 @!p0 $0x1C01  }
0x27: {  	[timem:s3], [sflag:s2] =	dma.local @!p0 [hbm:s0], s1  }
0x28: {  	s0 =	simm.s32 @!p0 $0x1  }
0x29: {  	_ =	swait.ge @!p0 [sflag:s0], s1  }
0x2a: {  	s1 =	ssub.s32 @!p0 $0x0, s1;
	[sflag:s0] =	ssyncset.done @!p0 $0x0  }
0x2b: {  	[sflag:s0] =	ssyncadd.s32 @!p0 s1  }
0x2c: {  	[bflag:$0x3] =	sbarrier.arrive $0xFFFF  }
0x2d: {  	_ =	shalt  }

// kernel: kernel.9.cloned.1.call-start
scs
__scs_entry_jumppad:
0x0: {  	(pc) =	sbr.rel $0x88, $3  }
0x1: {  	(tag) =	ssettag $0x0;
	lr =	simm.s32 $0x1  }
0x2: {  	[smem:$0x3F9F] =	sst lr;
	_ =	strace $0xD0000000  }
0x3: {  	_ = 	snop  }
0x4: {  	_ = 	snop  }
0x5: {  	_ = 	snop  }
0x6: {  	_ = 	snop  }
0x7: {  	_ = 	snop  }
__scs_overlays_trampoline_lowered:
0x8: {  	[smem:$0x3FAE] =	sst s0  }
0x9: {  	[smem:$0x3FAF] =	sst s1  }
0xa: {  	[smem:$0x3FB0] =	sst s2  }
0xb: {  	[smem:$0x3FB1] =	sst s3  }
0xc: {  	[smem:$0x3FB2] =	sst s4  }
0xd: {  	[smem:$0x3FB3] =	sst s5  }
0xe: {  	[smem:$0x3FB4] =	sst s6  }
0xf: {  	[smem:$0x3FB5] =	sst s7  }
0x10: {  	[smem:$0x3FB6] =	sst s8  }
0x11: {  	[smem:$0x3FB7] =	sst s9;
	s0 =	simm.s32 @!p0 $0x0  }
0x12: {  	s1 =	sld [smem:$0x3F9D];
	s0 =	simm.s32 @p0 $0x1  }
0x13: {  	[smem:$0x3FB8] =	sst s0;
	s0 =	simm.s32 @!p1 $0x0  }
0x14: {  	s2 =	sld [smem:$0x3F9C];
	s0 =	simm.s32 @p1 $0x1  }
0x15: {  	[smem:$0x3FB9] =	sst s0;
	s0 =	simm.s32 @!p2 $0x0  }
0x16: {  	s3 =	sld [smem:$0x3FDB];
	s0 =	simm.s32 @p2 $0x1  }
0x17: {  	s4 =	simm.s32 $0x1BF5;
	[smem:$0x3FBB] =	sst s0  }
0x18: {  	s0 =	sld [smem:$0x3F9E];
	_ =	swait.ge [sflag:s4], $0x0  }
0x19: {  	s7 =	sld [smem:$0x3F9F]  }
0x1a: {  	s8 =	sadd.s32 $0xFFFFE003, lr  }
0x1b: {  	s9 =	sadd.s32 $0xFFFFFEF7, lr;
	s5 =	simm.s32 $0xFFFFFFFF;
	p2 =	slt.u32 s8, $0xFFFFF086  }
0x1c: {  	p1 =	slt.u32 s9, $0xF7A;
	s5 =	simm.s32 @!p2 $0x0  }
0x1d: {  	s5 =	simm.s32 @p1 $0x1;
	p0 =	seq.s32 s7, s2  }
0x1e: {  	s7 =	smul.u32 @!p0 $0xF7A, s2;
	p2 =	seq.s32 @!p0 s5, $0x0  }
0x1f: {  	s9 =	smul.u32 $0xF7A, s1;
	s8 =	simm.s32 @!p0 $0x1BF5;
	p2 =	por !p2, p0  }
0x20: {  	[sflag:s8] =	ssyncset.s32 @!p0 $0xFFFFF086;
	s6 =	sadd.s32 @!p0 s3, s7;
	s7 =	simm.s32 @!p0 $0x108  }
0x21: {  	s3 =	sadd.s32 s3, s9;
	s6 =	sadd.s32 @!p0 $0x88, s6;
	s7 =	simm.s32 @p2 $0x1082  }
0x22: {  	[simem:s7], [sflag:s8] =	dma.local @!p0 [hbm:s6], $0xF7A  }
0x23: {  	s9 =	sor.u32 $0xD0000000, s2;
	s6 =	simm.s32 $0x108;
	_ =	swait.ge @!p0 [sflag:s8], $0x0  }
0x24: {  	s3 =	sadd.s32 $0x88, s3;
	s6 =	simm.s32 @!p1 $0x1082;
	[sflag:s4] =	ssyncset.s32 $0xFFFFF086  }
0x25: {  	[simem:s6], [sflag:s4] =	dma.local [hbm:s3], $0xF7A  }
0x26: {  	[smem:$0x3F9F] =	sst s1;
	(tag) =	ssettag s2;
	_ =	strace s9  }
0x27: {  	s1 =	sld [smem:$0x3FAF]  }
0x28: {  	s2 =	sld [smem:$0x3FB0]  }
0x29: {  	s4 =	sld [smem:$0x3FB2]  }
0x2a: {  	p0 =	seq.s32 s5, $0x0;
	s5 =	sld [smem:$0x3FB3]  }
0x2b: {  	s6 =	sld [smem:$0x3FB4]  }
0x2c: {  	s7 =	sld [smem:$0x3FB5]  }
0x2d: {  	s3 =	simm.s32 $0x108;
	s8 =	sld [smem:$0x3FB6]  }
0x2e: {  	s3 =	simm.s32 @!p0 $0x1082;
	s9 =	sld [smem:$0x3FB7]  }
0x2f: {  	lr =	sadd.s32 s0, s3;
	s0 =	sld [smem:$0x3FAE]  }
0x30: {  	s3 =	sld [smem:$0x3FB1]  }
0x31: {  	[smem:$0x3FBA] =	sst s10  }
0x32: {  	s10 =	sld [smem:$0x3FB8];
	_ =	sdelay $0x3  }
0x33: {  	p0 =	seq.s32 s10, $0x1;
	s10 =	sld [smem:$0x3FBA];
	_ =	sdelay $0x3  }
0x34: {  	[smem:$0x3FBA] =	sst s10  }
0x35: {  	s10 =	sld [smem:$0x3FB9];
	_ =	sdelay $0x3  }
0x36: {  	p1 =	seq.s32 s10, $0x1;
	s10 =	sld [smem:$0x3FBA];
	_ =	sdelay $0x3  }
0x37: {  	[smem:$0x3FBA] =	sst s10  }
0x38: {  	s10 =	sld [smem:$0x3FBB]  }
0x39: {  	_ = 	snop;
	(pc) =	sbr.ind lr, $3  }
0x3a: {  	_ = 	snop  }
0x3b: {  	_ = 	snop  }
0x3c: {  	p2 =	seq.s32 s10, $0x1;
	s10 =	sld [smem:$0x3FBA]  }
0x3d: {  	_ =	shalt  }
0x3e: {  	_ =	shalt  }
0x3f: {  	_ =	shalt  }
0x40: {  	_ =	shalt  }
0x41: {  	_ =	shalt  }
0x42: {  	_ =	shalt  }
0x43: {  	_ =	shalt  }
0x44: {  	_ =	shalt  }
0x45: {  	_ =	shalt  }
0x46: {  	_ =	shalt  }
0x47: {  	_ =	shalt  }
0x48: {  	_ =	shalt  }
0x49: {  	_ =	shalt  }
0x4a: {  	_ =	shalt  }
0x4b: {  	_ =	shalt  }
0x4c: {  	_ =	shalt  }
0x4d: {  	_ =	shalt  }
0x4e: {  	_ =	shalt  }
0x4f: {  	_ =	shalt  }
0x50: {  	_ =	shalt  }
0x51: {  	_ =	shalt  }
0x52: {  	_ =	shalt  }
0x53: {  	_ =	shalt  }
0x54: {  	_ =	shalt  }
0x55: {  	_ =	shalt  }
0x56: {  	_ =	shalt  }
0x57: {  	_ =	shalt  }
0x58: {  	_ =	shalt  }
0x59: {  	_ =	shalt  }
0x5a: {  	_ =	shalt  }
0x5b: {  	_ =	shalt  }
0x5c: {  	_ =	shalt  }
0x5d: {  	_ =	shalt  }
0x5e: {  	_ =	shalt  }
0x5f: {  	_ =	shalt  }
0x60: {  	_ =	shalt  }
0x61: {  	_ =	shalt  }
0x62: {  	_ =	shalt  }
0x63: {  	_ =	shalt  }
0x64: {  	_ =	shalt  }
0x65: {  	_ =	shalt  }
0x66: {  	_ =	shalt  }
0x67: {  	_ =	shalt  }
0x68: {  	_ =	shalt  }
0x69: {  	_ =	shalt  }
0x6a: {  	_ =	shalt  }
0x6b: {  	_ =	shalt  }
0x6c: {  	_ =	shalt  }
0x6d: {  	_ =	shalt  }
0x6e: {  	_ =	shalt  }
0x6f: {  	_ =	shalt  }
0x70: {  	_ =	shalt  }
0x71: {  	_ =	shalt  }
0x72: {  	_ =	shalt  }
0x73: {  	_ =	shalt  }
0x74: {  	_ =	shalt  }
0x75: {  	_ =	shalt  }
0x76: {  	_ =	shalt  }
0x77: {  	_ =	shalt  }
0x78: {  	_ =	shalt  }
0x79: {  	_ =	shalt  }
0x7a: {  	_ =	shalt  }
0x7b: {  	_ =	shalt  }
0x7c: {  	_ =	shalt  }
0x7d: {  	_ =	shalt  }
0x7e: {  	_ =	shalt  }
0x7f: {  	_ =	shalt  }
0x80: {  	_ =	shalt  }
0x81: {  	_ =	shalt  }
0x82: {  	_ =	shalt  }
0x83: {  	_ =	shalt  }
0x84: {  	_ =	shalt  }
0x85: {  	_ =	shalt  }
0x86: {  	_ =	shalt  }
0x87: {  	_ =	shalt  }
.Lfunc_end0:
.L_simem_size_0:
called_computation.1_lowered:
.L_overlay_start_0:
0x88: {  	s2 =	sld [smem:$0x3FD9]  }
0x89: {  	s3 =	sld [smem:$0x3FFE];
	_ =	sdelay $0x1  }
0x8a: {  	s1 =	srdreg.scid  }
0x8b: {  	s0 =	sand.u32 $0x1, s1  }
0x8c: {  	s14 =	sshll.u32 s0, $0xA;
	s2 =	sadd.s32 s3, s2  }
0x8d: {  	s2 =	sadd.s32 s2, s14  }
0x8e: {  	[smem:$0x3FC6] =	sst s2  }
0x8f: {  	_ = 	snop  }
0x90: {  	s2 =	sld [smem:$0x3FD0];
	_ =	sdelay $0x2  }
0x91: {  	s15 =	simm.s32 $0xB;
	s4 =	simm.s32 $0x10  }
0x92: {  	[smem:s4], [sflag:s15] =	dma.local [hbm:s2], $0x1  }
0x93: {  	_ =	swait.eq [sflag:s15], $0x1  }
0x94: {  	[sflag:s15] =	ssyncset.done $0x0  }
0x95: {  	s16 =	sld [smem:$0x11];
	[sflag:s15] =	ssyncadd.s32 $0xFFFFFFFF  }
0x96: {  	s17 =	sld [smem:$0x14];
	(tm) =	ssettm $0x1  }
0x97: {  	s18 =	sld [smem:$0x3FFB];
	_ =	sdelay $0x3  }
0x98: {  	_ =	strace s18  }
0x99: {  	s4 =	sld [smem:$0x3FFC];
	_ =	sdelay $0x3  }
0x9a: {  	_ =	strace s4  }
0x9b: {  	s4 =	sld [smem:$0x3FFD];
	_ =	sdelay $0x3  }
0x9c: {  	_ =	strace s4  }
0x9d: {  	_ =	strace $0x8FFFFFFF  }
0x9e: {  	s19 =	sld [smem:$0x3FDB];
	_ =	sdelay $0x1  }
0x9f: {  	s5 =	simm.s32 $_scs_section_size  }
0xa0: {  	s6 =	simm.s32 $_size__tile_overlayer_lowered;
	s7 =	simm.s32 $_tile_overlayer_lowered  }
0xa1: {  	s22 =	simm.s32 $0x1BFF;
	s21 =	sshll.u32 s7, $0x1;
	s4 =	sadd.s32 s5, s19  }
0xa2: {  	s8 =	simm.s32 $0x0;
	s20 =	sshll.u32 s6, $0x1;
	s6 =	sadd.s32 s21, s4  }
0xa3: {  	[timem:s8], [sflag:s22] =	dma.local [hbm:s6], s20  }
0xa4: {  	_ =	swait.ge [sflag:s22], s20  }
0xa5: {  	s5 =	ssub.s32 $0x0, s20;
	[sflag:s22] =	ssyncset.done $0x0  }
0xa6: {  	[sflag:s22] =	ssyncadd.s32 s5;
	_ =	sdelay $0x1  }
0xa7: {  	s23 =	simm.s32 $0x1B8B  }
0xa8: {  	_ =	swait.ge [sflag:s23], $0x1  }
0xa9: {  	[sflag:s23] =	ssyncset.done $0x0  }
0xaa: {  	s25 =	simm.s32 $0x1B8E;
	s24 =	sld [smem:$0x3FFE];
	[sflag:s23] =	ssyncadd.s32 $0xFFFFFFFF  }
0xab: {  	s26 =	simm.s32 $execute0_lowered;
	[smem:$0x3FD2] =	sst s25  }
0xac: {  	s6 =	sshll.u32 s26, $0x1;
	_ =	strace $0x80000046;
	[dreg:$0x1] =	wrdreg $0xFFFFFFFF  }
0xad: {  	s28 =	simm.s32 $_size_execute0_lowered;
	s4 =	sadd.s32 s4, s6;
	[dreg:$0x0] =	wrdreg $0x0  }
0xae: {  	s6 =	sshll.u32 s28, $0x1;
	[dreg:$0x2] =	wrdreg s4  }
0xaf: {  	[dreg:$0x3] =	wrdreg s6  }
0xb0: {  	[dreg:$0x4] =	wrdreg $0xC0  }
0xb1: {  	_ =	task [dreg:s8], $0x5FFFF  }
0xb2: {  	[dreg:$0x1] =	wrdreg $0xFFFFFFFF  }
0xb3: {  	[dreg:$0x0] =	wrdreg $0x60  }
0xb4: {  	[dreg:$0x2] =	wrdreg s17  }
0xb5: {  	[dreg:$0x3] =	wrdreg s24  }
0xb6: {  	[dreg:$0x4] =	wrdreg s16  }
0xb7: {  	[dreg:$0x5] =	wrdreg $0xA  }
0xb8: {  	_ =	task.clear_ibuf [dreg:s8], $0x6FFFF;
	_ =	strace $0x90000046  }
0xb9: {  	s29 =	simm.s32 $0xA;
	_ =	strace $0x80000048  }
0xba: {  	_ =	swait.ge [sflag:s29], $0x1  }
0xbb: {  	[sflag:s29] =	ssyncadd.s32 $0xFFFFFFFF  }
0xbc: {  	_ =	strace $0x90000048  }
0xbd: {  	_ =	sfence  }
0xbe: {  	s30 =	sld [smem:$0x0];
	_ =	sdelay $0x2  }
0xbf: {  	s31 =	sshll.u32 s1, $0xD;
	s1 =	sshrl.u32 s1, $0x2  }
0xc0: {  	s3 =	sand.u32 $0x4000, s31;
	s1 =	sadd.s32 s1, s30  }
0xc1: {  	s0 =	sor.u32 s3, s0;
	s1 =	sshll.u32 s1, $0x11  }
0xc2: {  	s0 =	sor.u32 s1, s0  }
0xc3: {  	s0 =	sadd.s32 $0x8F2B, s0  }
0xc4: {  	[sflag:s0] =	ssyncadd.remote.s32 $0x1  }
0xc5: {  	_ =	sfence.sel $0xFFFF  }
0xc6: {  	[dreg:$0x0] =	wrdreg $0xFFFFFFFF;
	(pc) =	sbr.abs _section_cstart, $3  }
0xc7: {  	[dreg:$0x1] =	wrdreg $0xFFFFFFFF  }
0xc8: {  	_ =	task.clear_ibuf [dreg:s8], $0x2FFFF;
	_ =	strace $0x9FFFFFFF  }
0xc9: {  	(tm) =	ssettm $0x7FFFFFFF  }
tec
execute0_lowered:
.L_overlay_start_1:
0x0: {  	(tag) =	ssettag $0x1  }
0x1: {  	s1 =	rddreg [dreg:$0x0]  }
0x2: {  	s5 =	rddreg [dreg:$0x1]  }
0x3: {  	s6 =	rddreg [dreg:$0x2]  }
0x4: {  	s0 =	rddreg [dreg:$0x3]  }
0x5: {  	s4 =	srdreg.scid;
	s2 =	stileid.u32;
	s3 =	simm.s32 $0x0  }
0x6: {  	s11 =	simm.s32 $0x2100;
	s12 =	simm.s32 $0x80;
	s13 =	simm.s32 $0x100  }
0x7: {  	s14 =	simm.s32 $0x1100;
	s4 =	sand.u32 $0x1, s4;
	s7 =	sshll.u32 s2, $0x1  }
0x8: {  	s15 =	simm.s32 $0x1;
	[smem:$0x7FF] =	sst s3;
	s7 =	sor.u32 s4, s7  }
0x9: {  	_ =	strace $0x80000047;
	s9 =	ssub.s32 $0x2, s4;
	s4 =	sadd.s32 $0xC00, s5  }
0xa: {  	s8 =	sshll.u32 s7, $0x5;
	s7 =	sshll.u32 s7, $0xA;
	s31 =	sshrl.u32 s9, $0x1  }
0xb: {  	s8 =	sadd.s32 s8, s5;
	s10 =	sadd.s32 s7, s5;
	s6 =	sadd.s32 s6, s7  }
0xc: {  	s9 =	ssub.s32 s9, s31;
	s5 =	sadd.s32 $0x800, s8;
	s7 =	sadd.s32 $0x200, s6  }
0xd: {  	v0 =	vimm.f32 $1.000000000e+00;
	s8 =	sadd.s32 $0x1000, s10;
	s9 =	smax.u32 s9, $0x1;
	s10 =	simm.s32 $0x2  }
.LBB2_1:
0xe: {  	[tilespmem:s3], [sflag:$0x2] =	stream.linear.gather [hbm4b:s5+s3], $0x100, $0x38;
	[tilespmem:$0x4100] =	vst v63  }
0xf: {  	_ =	swait.ge [sflag:s10], $0x100  }
0x10: {  	[sflag:s10] =	ssyncset.done $0x0  }
0x11: {  	[sflag:s10] =	ssyncadd.s32 $0xFFFFFF00  }
0x12: {  	[tilespmem:s11], [sflag:$0x2] =	stream.linear.gather [hbm4b:s4+s3], $0x2000, $0x38;
	[tilespmem:$0x4100] =	vst v63  }
0x13: {  	_ =	swait.ge [sflag:s10], $0x2000  }
0x14: {  	[sflag:s10] =	ssyncset.done $0x0  }
0x15: {  	[sflag:s10] =	ssyncadd.s32 $0xFFFFE000  }
0x16: {  	[tilespmem:s13], [sflag:$0x1] =	stream.indirect.gather [hbm4b:s1+s12], $0x20, s3, s12, $0xb8;
	[tilespmem:$0x4100] =	vst v63  }
0x17: {  	_ = 	snop  }
0x18: {  	[tilespmem:s14], [sflag:$0x1] =	stream.indirect.gather [hbm4b:s1+s12], $0x20, s12, s12, $0xb8;
	[tilespmem:$0x4100] =	vst v63  }
0x19: {  	_ =	swait.ge [sflag:s15], $0x1000  }
0x1a: {  	[sflag:s15] =	ssyncset.done $0x0  }
0x1b: {  	[sflag:s15] =	ssyncadd.s32 $0xFFFFF000  }
0x1c: {  	[hbm4b:s6+s3] =	stream.linear.scatter [tilespmem:s13], [sflag:$0x2], $0x1000, $0x38;
	[tilespmem:$0x4100] =	vst v63  }
0x1d: {  	_ =	swait.ge [sflag:s10], $0x1000  }
0x1e: {  	[sflag:s10] =	ssyncset.done $0x0  }
0x1f: {  	[sflag:s10] =	ssyncadd.s32 $0xFFFFF000  }
0x20: {  	_ =	swait.ge [sflag:s15], $0x1000  }
0x21: {  	[sflag:s15] =	ssyncset.done $0x0  }
0x22: {  	[sflag:s15] =	ssyncadd.s32 $0xFFFFF000  }
0x23: {  	[hbm4b:s7+s3] =	stream.linear.scatter [tilespmem:s14], [sflag:$0x2], $0x1000, $0x38;
	[tilespmem:$0x4100] =	vst v63  }
0x24: {  	_ =	swait.ge [sflag:s10], $0x1000  }
0x25: {  	[sflag:s10] =	ssyncset.done $0x0  }
0x26: {  	[sflag:s10] =	ssyncadd.s32 $0xFFFFF000  }
0x27: {  	v1 =	vld [tilespmem:$0x0];
	_ =	sdelay $0x7  }
0x28: {  	[tilespmem:v1+s11+$0x0] =	vst.idx.add.f32.msk $0xffff, v0  }
0x29: {  	v1 =	vld [tilespmem:$0x10];
	_ =	sdelay $0x7  }
0x2a: {  	[tilespmem:v1+s11+$0x0] =	vst.idx.add.f32.msk $0xffff, v0  }
0x2b: {  	v1 =	vld [tilespmem:$0x20];
	_ =	sdelay $0x7  }
0x2c: {  	[tilespmem:v1+s11+$0x0] =	vst.idx.add.f32.msk $0xffff, v0  }
0x2d: {  	v1 =	vld [tilespmem:$0x30];
	_ =	sdelay $0x7  }
0x2e: {  	[tilespmem:v1+s11+$0x0] =	vst.idx.add.f32.msk $0xffff, v0  }
0x2f: {  	v1 =	vld [tilespmem:$0x40];
	_ =	sdelay $0x7  }
0x30: {  	[tilespmem:v1+s11+$0x0] =	vst.idx.add.f32.msk $0xffff, v0  }
0x31: {  	v1 =	vld [tilespmem:$0x50];
	_ =	sdelay $0x7  }
0x32: {  	[tilespmem:v1+s11+$0x0] =	vst.idx.add.f32.msk $0xffff, v0  }
0x33: {  	v1 =	vld [tilespmem:$0x60];
	_ =	sdelay $0x7  }
0x34: {  	[tilespmem:v1+s11+$0x0] =	vst.idx.add.f32.msk $0xffff, v0  }
0x35: {  	v1 =	vld [tilespmem:$0x70];
	_ =	sdelay $0x7  }
0x36: {  	[tilespmem:v1+s11+$0x0] =	vst.idx.add.f32.msk $0xffff, v0  }
0x37: {  	v1 =	vld [tilespmem:$0x80];
	_ =	sdelay $0x7  }
0x38: {  	[tilespmem:v1+s11+$0x0] =	vst.idx.add.f32.msk $0xffff, v0  }
0x39: {  	v1 =	vld [tilespmem:$0x90];
	_ =	sdelay $0x7  }
0x3a: {  	[tilespmem:v1+s11+$0x0] =	vst.idx.add.f32.msk $0xffff, v0  }
0x3b: {  	v1 =	vld [tilespmem:$0xA0];
	_ =	sdelay $0x7  }
0x3c: {  	[tilespmem:v1+s11+$0x0] =	vst.idx.add.f32.msk $0xffff, v0  }
0x3d: {  	v1 =	vld [tilespmem:$0xB0];
	_ =	sdelay $0x7  }
0x3e: {  	[tilespmem:v1+s11+$0x0] =	vst.idx.add.f32.msk $0xffff, v0  }
0x3f: {  	v1 =	vld [tilespmem:$0xC0];
	_ =	sdelay $0x7  }
0x40: {  	[tilespmem:v1+s11+$0x0] =	vst.idx.add.f32.msk $0xffff, v0  }
0x41: {  	v1 =	vld [tilespmem:$0xD0];
	_ =	sdelay $0x7  }
0x42: {  	[tilespmem:v1+s11+$0x0] =	vst.idx.add.f32.msk $0xffff, v0  }
0x43: {  	v1 =	vld [tilespmem:$0xE0];
	_ =	sdelay $0x7  }
0x44: {  	[tilespmem:v1+s11+$0x0] =	vst.idx.add.f32.msk $0xffff, v0  }
0x45: {  	v1 =	vld [tilespmem:$0xF0];
	_ =	sdelay $0x6  }
0x46: {  	p0 =	sne.s32 s9, $0x1  }
.Ltmp0:
0x47: {  	[tilespmem:v1+s11+$0x0] =	vst.idx.add.f32.msk $0xffff, v0;
	(pc) =	sbr.rel @p0 .LBB2_1-.Ltmp0, $4  }
0x48: {  	[hbm4b:s8+s3] =	stream.linear.scatter [tilespmem:s11], [sflag:$0x2], $0x2000, $0x38;
	[tilespmem:$0x4100] =	vst v63  }
0x49: {  	_ =	swait.ge [sflag:s10], $0x2000  }
0x4a: {  	[sflag:s10] =	ssyncset.done $0x0  }
0x4b: {  	s9 =	sadd.s32 $0xFFFFFFFF, s9;
	[sflag:s10] =	ssyncadd.s32 $0xFFFFE000  }
0x4c: {  	_ =	sfence.sel $0x180000  }
0x4d: {  	[bflag:$0x0] =	sbarrier.arrive $0xFFFF  }
0x4e: {  	p0 =	sne.s32 s2, $0x0;
	_ =	strace $0x90000047  }
0x4f: {  	s0 =	sadd.s32 @!p0 $0x100000, s0;
	[bflag:$0x2] =	sbarrier.arrive $0xFFFF  }
0x50: {  	[sflag:s0] =	ssyncadd.tile.s32 @!p0 $0x1;
	_ =	shalt  }
.Lfunc_end2:
_tile_overlayer_lowered:
.L_overlay_start_2:
0x51: {  	(tag) =	ssettag $0x2  }
0x52: {  	s0 =	rddreg [dreg:$0x0];
	s2 =	stileid.u32  }
0x53: {  	s1 =	rddreg [dreg:$0x1];
	p0 =	sne.s32 s2, $0x0  }
0x54: {  	s3 =	rddreg [dreg:$0x2];
	[bflag:$0x3] =	sbarrier.arrive $0xFFFF;
	s2 =	simm.s32 @!p0 $0x1C02  }
0x55: {  	[timem:s3], [sflag:s2] =	dma.local @!p0 [hbm:s0], s1  }
0x56: {  	s0 =	simm.s32 @!p0 $0x2  }
0x57: {  	_ =	swait.ge @!p0 [sflag:s0], s1  }
0x58: {  	s1 =	ssub.s32 @!p0 $0x0, s1;
	[sflag:s0] =	ssyncset.done @!p0 $0x0  }
0x59: {  	[sflag:s0] =	ssyncadd.s32 @!p0 s1  }
0x5a: {  	[bflag:$0x3] =	sbarrier.arrive $0xFFFF  }
0x5b: {  	_ =	shalt  }

</sc_bundles>
